<compile_context>
chip_gen: v7x
topology: tpu7x:2x2x1
jax: 0.10.2.dev20260603
libtpu: 0.0.44.dev20260713+nightly
codegen_flags: <defaults>
</compile_context>

<pallas_src>
import jax
import jax.numpy as jnp
from jax import lax
from jax.experimental import pallas as pl
from jax.experimental.pallas import tpu as pltpu
from jax.experimental.pallas import tpu_sc as plsc

L = 16
NC = 2
NS = 16
NW = NC * NS

H = 2048
W = 2048
P = 4 * 512 * 512
PPW = P // NW
CH = 2048
NCHUNK = PPW // CH
VECS = CH // L


def _tex_body(gx_hbm, gy_hbm, tex_hbm, out_hbm,
              gxA, gyA, i00A, i01A, i10A, i11A,
              v00A, v01A, v10A, v11A, wxA, wyA, obA,
              gxB, gyB, i00B, i01B, i10B, i11B,
              v00B, v01B, v10B, v11B, wxB, wyB, obB,
              semA, semB, semOutA, semOutB):
    wid = lax.axis_index("s") * NC + lax.axis_index("c")
    base = wid * PPW

    A = (gxA, gyA, (i00A, i01A, i10A, i11A), (v00A, v01A, v10A, v11A),
         wxA, wyA, obA, semA, semOutA)
    B = (gxB, gyB, (i00B, i01B, i10B, i11B), (v00B, v01B, v10B, v11B),
         wxB, wyB, obB, semB, semOutB)

    lane = lax.iota(jnp.int32, L)

    def load_compute(S, c):
        gxb, gyb, idx, _, wxb, wyb, _, _, _ = S
        off = base + c * CH
        pltpu.sync_copy(gx_hbm.at[pl.ds(off, CH)], gxb)
        pltpu.sync_copy(gy_hbm.at[pl.ds(off, CH)], gyb)

        def vec_body(i, carry):
            b = pl.ds(i * L, L)
            gx = gxb[b]
            gy = gyb[b]
            ix = ((gx + 1.0) * jnp.float32(W) - 1.0) * 0.5
            iy = ((gy + 1.0) * jnp.float32(H) - 1.0) * 0.5
            ix = jnp.minimum(jnp.maximum(ix, 0.0), jnp.float32(W - 1))
            iy = jnp.minimum(jnp.maximum(iy, 0.0), jnp.float32(H - 1))
            ix0 = ix.astype(jnp.int32)
            iy0 = iy.astype(jnp.int32)
            wxb[b] = ix - ix0.astype(jnp.float32)
            wyb[b] = iy - iy0.astype(jnp.float32)
            ix1 = jnp.minimum(ix0 + 1, W - 1)
            iy1 = jnp.minimum(iy0 + 1, H - 1)
            row0 = iy0 << 11
            row1 = iy1 << 11
            idx[0][b] = row0 + ix0
            idx[1][b] = row0 + ix1
            idx[2][b] = row1 + ix0
            idx[3][b] = row1 + ix1
            return carry

        lax.fori_loop(0, VECS, vec_body, 0, unroll=2)

    def fire(S):
        _, _, idx, v, _, _, _, sem, _ = S
        for k in range(4):
            pltpu.async_copy(tex_hbm.at[idx[k]], v[k], sem)

    def drain(S):
        _, _, idx, v, _, _, _, sem, _ = S
        for k in range(4):
            pltpu.make_async_copy(tex_hbm.at[idx[k]], v[k], sem).wait()

    def combine_out(S, c, first):
        _, _, _, v, wxb, wyb, obf, _, semo = S
        off = base + c * CH

        @pl.when(jnp.logical_not(first))
        def _():
            pltpu.make_async_copy(obf, out_hbm.at[pl.ds(off, CH)], semo).wait()

        def comb_body(i, carry):
            b = pl.ds(i * L, L)
            wx1 = wxb[b]
            wy1 = wyb[b]
            a00 = v[0][b]
            a01 = v[1][b]
            a10 = v[2][b]
            a11 = v[3][b]
            top = a00 + (a01 - a00) * wx1
            bot = a10 + (a11 - a10) * wx1
            obf[b] = top + (bot - top) * wy1
            return carry

        lax.fori_loop(0, VECS, comb_body, 0, unroll=2)
        pltpu.async_copy(obf, out_hbm.at[pl.ds(off, CH)], semo)

    load_compute(A, 0)
    fire(A)

    def pair_body(k, carry):
        cA = 2 * k
        load_compute(B, cA + 1)
        fire(B)
        drain(A)
        combine_out(A, cA, k == 0)

        @pl.when(k < NCHUNK // 2 - 1)
        def _():
            load_compute(A, cA + 2)
            fire(A)

        drain(B)
        combine_out(B, cA + 1, k == 0)
        return carry

    lax.fori_loop(0, NCHUNK // 2, pair_body, 0)

    last = base + (NCHUNK - 1) * CH
    pltpu.make_async_copy(obA, out_hbm.at[pl.ds(last, CH)], semOutA).wait()
    pltpu.make_async_copy(obB, out_hbm.at[pl.ds(last, CH)], semOutB).wait()


def kernel(x, layer1):
    batch = x.shape[0]
    gx_flat = x[..., 0].reshape(-1)
    gy_flat = x[..., 1].reshape(-1)
    tex_flat = layer1.reshape(-1)

    buf = lambda dt: pltpu.VMEM((CH,), dt)
    one_set = [buf(jnp.float32), buf(jnp.float32),
               buf(jnp.int32), buf(jnp.int32), buf(jnp.int32), buf(jnp.int32),
               buf(jnp.float32), buf(jnp.float32), buf(jnp.float32),
               buf(jnp.float32), buf(jnp.float32), buf(jnp.float32),
               buf(jnp.float32)]

    run = pl.kernel(
        _tex_body,
        out_type=jax.ShapeDtypeStruct((P,), jnp.float32),
        mesh=plsc.VectorSubcoreMesh(core_axis_name="c", subcore_axis_name="s"),
        scratch_types=one_set + one_set + [
            pltpu.SemaphoreType.DMA,
            pltpu.SemaphoreType.DMA,
            pltpu.SemaphoreType.DMA,
            pltpu.SemaphoreType.DMA,
        ],
        compiler_params=pltpu.CompilerParams(needs_layout_passes=False),
    )
    y = run(gx_flat, gy_flat, tex_flat)
    return y.reshape(batch, 1, x.shape[1], x.shape[2])

# --- scband reference (transcript-rebuilt; emitter-appended) ---
"""Pipeline reference for scband-single-layer-texture-26474178413070 (READ-ONLY COPY).

The authoritative reference and input builder live on the scoring server;
editing this copy changes nothing except your own understanding.
"""

import jax, jax.numpy as jnp
import numpy as np


def _grid_sample_bilinear_border(img, grid):
    # img: [N, C, H, W], grid: [N, Ho, Wo, 2] with grid[...,0]=x (width), grid[...,1]=y (height)
    # align_corners=False, padding_mode='border'
    N, C, H, W = img.shape
    gx = grid[..., 0]
    gy = grid[..., 1]
    ix = ((gx + 1.0) * W - 1.0) / 2.0
    iy = ((gy + 1.0) * H - 1.0) / 2.0
    # border padding: clamp coordinates to valid range before interpolation
    ix = jnp.clip(ix, 0.0, W - 1.0)
    iy = jnp.clip(iy, 0.0, H - 1.0)
    ix0 = jnp.floor(ix)
    iy0 = jnp.floor(iy)
    ix1 = ix0 + 1.0
    iy1 = iy0 + 1.0
    wx1 = ix - ix0
    wx0 = 1.0 - wx1
    wy1 = iy - iy0
    wy0 = 1.0 - wy1
    ix0i = jnp.clip(ix0, 0, W - 1).astype(jnp.int32)
    ix1i = jnp.clip(ix1, 0, W - 1).astype(jnp.int32)
    iy0i = jnp.clip(iy0, 0, H - 1).astype(jnp.int32)
    iy1i = jnp.clip(iy1, 0, H - 1).astype(jnp.int32)

    def per_sample(img_n, y0, x0, y1, x1, w00, w01, w10, w11):
        # img_n: [C, H, W]; index maps: [Ho, Wo]
        v00 = img_n[:, y0, x0]
        v01 = img_n[:, y0, x1]
        v10 = img_n[:, y1, x0]
        v11 = img_n[:, y1, x1]
        return (v00 * w00[None] + v01 * w01[None] + v10 * w10[None] + v11 * w11[None])

    out = jax.vmap(per_sample)(img, iy0i, ix0i, iy1i, ix1i,
                               wy0 * wx0, wy0 * wx1, wy1 * wx0, wy1 * wx1)
    return out  # [N, C, Ho, Wo]


def setup_inputs(seed: int = 0) -> dict:
    key = jax.random.key(seed)
    k1, k2 = jax.random.split(key)
    x = jax.random.uniform(k1, (4, 512, 512, 2), dtype=jnp.float32)
    layer1 = jax.random.uniform(k2, (1, 1, 2048, 2048), dtype=jnp.float32)
    return {"x": x, "layer1": layer1}


def reference(x, layer1):
    batch = x.shape[0]
    img = jnp.tile(layer1, (batch, 1, 1, 1))
    y = _grid_sample_bilinear_border(img, x)
    return y

if __name__ == "__main__":
    import jax
    _d = setup_inputs()
    print(jax.jit(kernel)(*tuple(_d.values())))

</pallas_src>

<mosaic_0001>
#map = affine_map<(d0, d1) -> (0)>
module attributes {stable_mosaic.version = 14 : i64} {
  func.func @_tex_body(%arg0: i32, %arg1: i32, %arg2: memref<1048576xf32, #tpu.memory_space<hbm>>, %arg3: memref<1048576xf32, #tpu.memory_space<hbm>>, %arg4: memref<4194304xf32, #tpu.memory_space<hbm>>, %arg5: memref<1048576xf32, #tpu.memory_space<hbm>>, %arg6: memref<2048xf32, #tpu.memory_space<vmem>>, %arg7: memref<2048xf32, #tpu.memory_space<vmem>>, %arg8: memref<2048xi32, #tpu.memory_space<vmem>>, %arg9: memref<2048xi32, #tpu.memory_space<vmem>>, %arg10: memref<2048xi32, #tpu.memory_space<vmem>>, %arg11: memref<2048xi32, #tpu.memory_space<vmem>>, %arg12: memref<2048xf32, #tpu.memory_space<vmem>>, %arg13: memref<2048xf32, #tpu.memory_space<vmem>>, %arg14: memref<2048xf32, #tpu.memory_space<vmem>>, %arg15: memref<2048xf32, #tpu.memory_space<vmem>>, %arg16: memref<2048xf32, #tpu.memory_space<vmem>>, %arg17: memref<2048xf32, #tpu.memory_space<vmem>>, %arg18: memref<2048xf32, #tpu.memory_space<vmem>>, %arg19: memref<2048xf32, #tpu.memory_space<vmem>>, %arg20: memref<2048xf32, #tpu.memory_space<vmem>>, %arg21: memref<2048xi32, #tpu.memory_space<vmem>>, %arg22: memref<2048xi32, #tpu.memory_space<vmem>>, %arg23: memref<2048xi32, #tpu.memory_space<vmem>>, %arg24: memref<2048xi32, #tpu.memory_space<vmem>>, %arg25: memref<2048xf32, #tpu.memory_space<vmem>>, %arg26: memref<2048xf32, #tpu.memory_space<vmem>>, %arg27: memref<2048xf32, #tpu.memory_space<vmem>>, %arg28: memref<2048xf32, #tpu.memory_space<vmem>>, %arg29: memref<2048xf32, #tpu.memory_space<vmem>>, %arg30: memref<2048xf32, #tpu.memory_space<vmem>>, %arg31: memref<2048xf32, #tpu.memory_space<vmem>>, %arg32: memref<!tpu.dma_semaphore, #tpu.memory_space<semaphore_mem>>, %arg33: memref<!tpu.dma_semaphore, #tpu.memory_space<semaphore_mem>>, %arg34: memref<!tpu.dma_semaphore, #tpu.memory_space<semaphore_mem>>, %arg35: memref<!tpu.dma_semaphore, #tpu.memory_space<semaphore_mem>>) attributes {dimension_semantics = [#tpu.dimension_semantics<core_parallel>, #tpu.dimension_semantics<subcore_parallel>], iteration_bounds = array<i64: 2, 16>, scalar_prefetch = 0 : i64, scratch_operands = 30 : i64, tpu.core_type = #tpu.core_type<sc_vector_subcore>, window_params = [{transform_indices = #map}, {transform_indices = #map}, {transform_indices = #map}, {transform_indices = #map}]} {
    %mul3A = arith.constant 2 : i32
    %mul3A_0 = arith.muli %arg1, %mul3A : i32
    %add3A = arith.addi %mul3A_0, %arg0 : i32
    %mul3A_1 = arith.constant 32768 : i32
    %mul3A_2 = arith.muli %add3A, %mul3A_1 : i32
    %iota3A = tpu.iota {dimensions = array<i32: 0>} : vector<16xi32>
    %add3A_3 = arith.constant 0 : i32
    %add3A_4 = arith.addi %mul3A_2, %add3A_3 : i32
    "tpu.region"() ({
      %run_scoped3A = tpu.sem_alloc : memref<!tpu.dma_semaphore, #tpu.memory_space<semaphore_mem>>
      %dma_start3A_28 = tpu.memref_slice %arg2[%add3A_4] : memref<1048576xf32, #tpu.memory_space<hbm>> -> memref<2048xf32, #tpu.memory_space<hbm>>
      %dma_start3A_29 = tpu.memref_slice %arg2[%add3A_4] : memref<1048576xf32, #tpu.memory_space<hbm>> -> memref<2048xf32, #tpu.memory_space<hbm>>
      tpu.enqueue_dma source(%dma_start3A_29 : memref<2048xf32, #tpu.memory_space<hbm>>) target(%arg6 : memref<2048xf32, #tpu.memory_space<vmem>>) target_semaphore(%run_scoped3A : memref<!tpu.dma_semaphore, #tpu.memory_space<semaphore_mem>>)
      %dma_wait3A_30 = tpu.memref_slice %arg2[%add3A_4] : memref<1048576xf32, #tpu.memory_space<hbm>> -> memref<2048xf32, #tpu.memory_space<hbm>>
      %dma_wait3A_31 = tpu.memref_slice %arg2[%add3A_4] : memref<1048576xf32, #tpu.memory_space<hbm>> -> memref<2048xf32, #tpu.memory_space<hbm>>
      tpu.wait_dma2 semaphore(%run_scoped3A : memref<!tpu.dma_semaphore, #tpu.memory_space<semaphore_mem>>) src(%dma_wait3A_31 : memref<2048xf32, #tpu.memory_space<hbm>>) dst(%arg6 : memref<2048xf32, #tpu.memory_space<vmem>>)
      tpu.yield
    }) : () -> ()
    "tpu.region"() ({
      %run_scoped3A = tpu.sem_alloc : memref<!tpu.dma_semaphore, #tpu.memory_space<semaphore_mem>>
      %dma_start3A_28 = tpu.memref_slice %arg3[%add3A_4] : memref<1048576xf32, #tpu.memory_space<hbm>> -> memref<2048xf32, #tpu.memory_space<hbm>>
      %dma_start3A_29 = tpu.memref_slice %arg3[%add3A_4] : memref<1048576xf32, #tpu.memory_space<hbm>> -> memref<2048xf32, #tpu.memory_space<hbm>>
      tpu.enqueue_dma source(%dma_start3A_29 : memref<2048xf32, #tpu.memory_space<hbm>>) target(%arg7 : memref<2048xf32, #tpu.memory_space<vmem>>) target_semaphore(%run_scoped3A : memref<!tpu.dma_semaphore, #tpu.memory_space<semaphore_mem>>)
      %dma_wait3A_30 = tpu.memref_slice %arg3[%add3A_4] : memref<1048576xf32, #tpu.memory_space<hbm>> -> memref<2048xf32, #tpu.memory_space<hbm>>
      %dma_wait3A_31 = tpu.memref_slice %arg3[%add3A_4] : memref<1048576xf32, #tpu.memory_space<hbm>> -> memref<2048xf32, #tpu.memory_space<hbm>>
      tpu.wait_dma2 semaphore(%run_scoped3A : memref<!tpu.dma_semaphore, #tpu.memory_space<semaphore_mem>>) src(%dma_wait3A_31 : memref<2048xf32, #tpu.memory_space<hbm>>) dst(%arg7 : memref<2048xf32, #tpu.memory_space<vmem>>)
      tpu.yield
    }) : () -> ()
    %scan3A = arith.constant 0 : i32
    %scan3A_5 = arith.constant 0 : i32
    %scan3A_6 = arith.constant 128 : i32
    %scan3A_7 = arith.addi %scan3A_5, %scan3A_6 : i32
    %scan3A_8 = arith.constant 2 : i32
    scf.for %scan3A_28 = %scan3A_5 to %scan3A_7 step %scan3A_8  : i32 {
      %mul3A_29 = arith.constant 16 : i32
      %mul3A_30 = arith.muli %scan3A_28, %mul3A_29 : i32
      %get3A = arith.index_cast %mul3A_30 : i32 to index
      %get3A_31 = tpu.vector_load %arg6[%get3A] {strides = array<i32>} : memref<2048xf32, #tpu.memory_space<vmem>>, vector<16xf32>,
      %get3A_32 = arith.index_cast %mul3A_30 : i32 to index
      %get3A_33 = tpu.vector_load %arg7[%get3A_32] {strides = array<i32>} : memref<2048xf32, #tpu.memory_space<vmem>>, vector<16xf32>,
      %add3A_34 = arith.constant 1.000000e+00 : f32
      %add3A_35 = vector.broadcast %add3A_34 : f32 to vector<16xf32>
      %add3A_36 = arith.addf %get3A_31, %add3A_35 : vector<16xf32>
      %mul3A_37 = arith.constant 2.048000e+03 : f32
      %mul3A_38 = vector.broadcast %mul3A_37 : f32 to vector<16xf32>
      %mul3A_39 = arith.mulf %add3A_36, %mul3A_38 : vector<16xf32>
      %sub3A = arith.constant 1.000000e+00 : f32
      %sub3A_40 = vector.broadcast %sub3A : f32 to vector<16xf32>
      %sub3A_41 = arith.subf %mul3A_39, %sub3A_40 : vector<16xf32>
      %mul3A_42 = arith.constant 5.000000e-01 : f32
      %mul3A_43 = vector.broadcast %mul3A_42 : f32 to vector<16xf32>
      %mul3A_44 = arith.mulf %sub3A_41, %mul3A_43 : vector<16xf32>
      %add3A_45 = arith.constant 1.000000e+00 : f32
      %add3A_46 = vector.broadcast %add3A_45 : f32 to vector<16xf32>
      %add3A_47 = arith.addf %get3A_33, %add3A_46 : vector<16xf32>
      %mul3A_48 = arith.constant 2.048000e+03 : f32
      %mul3A_49 = vector.broadcast %mul3A_48 : f32 to vector<16xf32>
      %mul3A_50 = arith.mulf %add3A_47, %mul3A_49 : vector<16xf32>
      %sub3A_51 = arith.constant 1.000000e+00 : f32
      %sub3A_52 = vector.broadcast %sub3A_51 : f32 to vector<16xf32>
      %sub3A_53 = arith.subf %mul3A_50, %sub3A_52 : vector<16xf32>
      %mul3A_54 = arith.constant 5.000000e-01 : f32
      %mul3A_55 = vector.broadcast %mul3A_54 : f32 to vector<16xf32>
      %mul3A_56 = arith.mulf %sub3A_53, %mul3A_55 : vector<16xf32>
      %max3A = arith.constant 0.000000e+00 : f32
      %max3A_57 = vector.broadcast %max3A : f32 to vector<16xf32>
      %max3A_58 = arith.maximumf %mul3A_44, %max3A_57 : vector<16xf32>
      %min3A = arith.constant 2.047000e+03 : f32
      %min3A_59 = vector.broadcast %min3A : f32 to vector<16xf32>
      %min3A_60 = arith.minimumf %max3A_58, %min3A_59 : vector<16xf32>
      %max3A_61 = arith.constant 0.000000e+00 : f32
      %max3A_62 = vector.broadcast %max3A_61 : f32 to vector<16xf32>
      %max3A_63 = arith.maximumf %mul3A_56, %max3A_62 : vector<16xf32>
      %min3A_64 = arith.constant 2.047000e+03 : f32
      %min3A_65 = vector.broadcast %min3A_64 : f32 to vector<16xf32>
      %min3A_66 = arith.minimumf %max3A_63, %min3A_65 : vector<16xf32>
      %convert_element_type3A = arith.fptosi %min3A_60 : vector<16xf32> to vector<16xi32>
      %convert_element_type3A_67 = arith.fptosi %min3A_66 : vector<16xf32> to vector<16xi32>
      %convert_element_type3A_68 = arith.sitofp %convert_element_type3A : vector<16xi32> to vector<16xf32>
      %sub3A_69 = arith.subf %min3A_60, %convert_element_type3A_68 : vector<16xf32>
      %swap3A = arith.index_cast %mul3A_30 : i32 to index
      %swap3A_70 = tpu.vector_load %arg16[%swap3A] {strides = array<i32>} : memref<2048xf32, #tpu.memory_space<vmem>>, vector<16xf32>,
      tpu.vector_store %arg16[%swap3A], %sub3A_69 {strides = array<i32>} : memref<2048xf32, #tpu.memory_space<vmem>>, vector<16xf32>,
      %convert_element_type3A_71 = arith.sitofp %convert_element_type3A_67 : vector<16xi32> to vector<16xf32>
      %sub3A_72 = arith.subf %min3A_66, %convert_element_type3A_71 : vector<16xf32>
      %swap3A_73 = arith.index_cast %mul3A_30 : i32 to index
      %swap3A_74 = tpu.vector_load %arg17[%swap3A_73] {strides = array<i32>} : memref<2048xf32, #tpu.memory_space<vmem>>, vector<16xf32>,
      tpu.vector_store %arg17[%swap3A_73], %sub3A_72 {strides = array<i32>} : memref<2048xf32, #tpu.memory_space<vmem>>, vector<16xf32>,
      %add3A_75 = arith.constant 1 : i32
      %add3A_76 = vector.broadcast %add3A_75 : i32 to vector<16xi32>
      %add3A_77 = arith.addi %convert_element_type3A, %add3A_76 : vector<16xi32>
      %min3A_78 = arith.constant 2047 : i32
      %min3A_79 = vector.broadcast %min3A_78 : i32 to vector<16xi32>
      %min3A_80 = arith.minsi %add3A_77, %min3A_79 : vector<16xi32>
      %add3A_81 = arith.constant 1 : i32
      %add3A_82 = vector.broadcast %add3A_81 : i32 to vector<16xi32>
      %add3A_83 = arith.addi %convert_element_type3A_67, %add3A_82 : vector<16xi32>
      %min3A_84 = arith.constant 2047 : i32
      %min3A_85 = vector.broadcast %min3A_84 : i32 to vector<16xi32>
      %min3A_86 = arith.minsi %add3A_83, %min3A_85 : vector<16xi32>
      %shift_left3A = arith.constant 11 : i32
      %shift_left3A_87 = vector.broadcast %shift_left3A : i32 to vector<16xi32>
      %shift_left3A_88 = arith.shli %convert_element_type3A_67, %shift_left3A_87 : vector<16xi32>
      %shift_left3A_89 = arith.constant 11 : i32
      %shift_left3A_90 = vector.broadcast %shift_left3A_89 : i32 to vector<16xi32>
      %shift_left3A_91 = arith.shli %min3A_86, %shift_left3A_90 : vector<16xi32>
      %add3A_92 = arith.addi %shift_left3A_88, %convert_element_type3A : vector<16xi32>
      %swap3A_93 = arith.index_cast %mul3A_30 : i32 to index
      %swap3A_94 = tpu.vector_load %arg8[%swap3A_93] {strides = array<i32>} : memref<2048xi32, #tpu.memory_space<vmem>>, vector<16xi32>,
      tpu.vector_store %arg8[%swap3A_93], %add3A_92 {strides = array<i32>} : memref<2048xi32, #tpu.memory_space<vmem>>, vector<16xi32>,
      %add3A_95 = arith.addi %shift_left3A_88, %min3A_80 : vector<16xi32>
      %swap3A_96 = arith.index_cast %mul3A_30 : i32 to index
      %swap3A_97 = tpu.vector_load %arg9[%swap3A_96] {strides = array<i32>} : memref<2048xi32, #tpu.memory_space<vmem>>, vector<16xi32>,
      tpu.vector_store %arg9[%swap3A_96], %add3A_95 {strides = array<i32>} : memref<2048xi32, #tpu.memory_space<vmem>>, vector<16xi32>,
      %add3A_98 = arith.addi %shift_left3A_91, %convert_element_type3A : vector<16xi32>
      %swap3A_99 = arith.index_cast %mul3A_30 : i32 to index
      %swap3A_100 = tpu.vector_load %arg10[%swap3A_99] {strides = array<i32>} : memref<2048xi32, #tpu.memory_space<vmem>>, vector<16xi32>,
      tpu.vector_store %arg10[%swap3A_99], %add3A_98 {strides = array<i32>} : memref<2048xi32, #tpu.memory_space<vmem>>, vector<16xi32>,
      %add3A_101 = arith.addi %shift_left3A_91, %min3A_80 : vector<16xi32>
      %swap3A_102 = arith.index_cast %mul3A_30 : i32 to index
      %swap3A_103 = tpu.vector_load %arg11[%swap3A_102] {strides = array<i32>} : memref<2048xi32, #tpu.memory_space<vmem>>, vector<16xi32>,
      tpu.vector_store %arg11[%swap3A_102], %add3A_101 {strides = array<i32>} : memref<2048xi32, #tpu.memory_space<vmem>>, vector<16xi32>,
      %scan3A_104 = arith.constant 1 : i32
      %scan3A_105 = arith.addi %scan3A_28, %scan3A_104 : i32
      %mul3A_106 = arith.constant 16 : i32
      %mul3A_107 = arith.muli %scan3A_105, %mul3A_106 : i32
      %get3A_108 = arith.index_cast %mul3A_107 : i32 to index
      %get3A_109 = tpu.vector_load %arg6[%get3A_108] {strides = array<i32>} : memref<2048xf32, #tpu.memory_space<vmem>>, vector<16xf32>,
      %get3A_110 = arith.index_cast %mul3A_107 : i32 to index
      %get3A_111 = tpu.vector_load %arg7[%get3A_110] {strides = array<i32>} : memref<2048xf32, #tpu.memory_space<vmem>>, vector<16xf32>,
      %add3A_112 = arith.constant 1.000000e+00 : f32
      %add3A_113 = vector.broadcast %add3A_112 : f32 to vector<16xf32>
      %add3A_114 = arith.addf %get3A_109, %add3A_113 : vector<16xf32>
      %mul3A_115 = arith.constant 2.048000e+03 : f32
      %mul3A_116 = vector.broadcast %mul3A_115 : f32 to vector<16xf32>
      %mul3A_117 = arith.mulf %add3A_114, %mul3A_116 : vector<16xf32>
      %sub3A_118 = arith.constant 1.000000e+00 : f32
      %sub3A_119 = vector.broadcast %sub3A_118 : f32 to vector<16xf32>
      %sub3A_120 = arith.subf %mul3A_117, %sub3A_119 : vector<16xf32>
      %mul3A_121 = arith.constant 5.000000e-01 : f32
      %mul3A_122 = vector.broadcast %mul3A_121 : f32 to vector<16xf32>
      %mul3A_123 = arith.mulf %sub3A_120, %mul3A_122 : vector<16xf32>
      %add3A_124 = arith.constant 1.000000e+00 : f32
      %add3A_125 = vector.broadcast %add3A_124 : f32 to vector<16xf32>
      %add3A_126 = arith.addf %get3A_111, %add3A_125 : vector<16xf32>
      %mul3A_127 = arith.constant 2.048000e+03 : f32
      %mul3A_128 = vector.broadcast %mul3A_127 : f32 to vector<16xf32>
      %mul3A_129 = arith.mulf %add3A_126, %mul3A_128 : vector<16xf32>
      %sub3A_130 = arith.constant 1.000000e+00 : f32
      %sub3A_131 = vector.broadcast %sub3A_130 : f32 to vector<16xf32>
      %sub3A_132 = arith.subf %mul3A_129, %sub3A_131 : vector<16xf32>
      %mul3A_133 = arith.constant 5.000000e-01 : f32
      %mul3A_134 = vector.broadcast %mul3A_133 : f32 to vector<16xf32>
      %mul3A_135 = arith.mulf %sub3A_132, %mul3A_134 : vector<16xf32>
      %max3A_136 = arith.constant 0.000000e+00 : f32
      %max3A_137 = vector.broadcast %max3A_136 : f32 to vector<16xf32>
      %max3A_138 = arith.maximumf %mul3A_123, %max3A_137 : vector<16xf32>
      %min3A_139 = arith.constant 2.047000e+03 : f32
      %min3A_140 = vector.broadcast %min3A_139 : f32 to vector<16xf32>
      %min3A_141 = arith.minimumf %max3A_138, %min3A_140 : vector<16xf32>
      %max3A_142 = arith.constant 0.000000e+00 : f32
      %max3A_143 = vector.broadcast %max3A_142 : f32 to vector<16xf32>
      %max3A_144 = arith.maximumf %mul3A_135, %max3A_143 : vector<16xf32>
      %min3A_145 = arith.constant 2.047000e+03 : f32
      %min3A_146 = vector.broadcast %min3A_145 : f32 to vector<16xf32>
      %min3A_147 = arith.minimumf %max3A_144, %min3A_146 : vector<16xf32>
      %convert_element_type3A_148 = arith.fptosi %min3A_141 : vector<16xf32> to vector<16xi32>
      %convert_element_type3A_149 = arith.fptosi %min3A_147 : vector<16xf32> to vector<16xi32>
      %convert_element_type3A_150 = arith.sitofp %convert_element_type3A_148 : vector<16xi32> to vector<16xf32>
      %sub3A_151 = arith.subf %min3A_141, %convert_element_type3A_150 : vector<16xf32>
      %swap3A_152 = arith.index_cast %mul3A_107 : i32 to index
      %swap3A_153 = tpu.vector_load %arg16[%swap3A_152] {strides = array<i32>} : memref<2048xf32, #tpu.memory_space<vmem>>, vector<16xf32>,
      tpu.vector_store %arg16[%swap3A_152], %sub3A_151 {strides = array<i32>} : memref<2048xf32, #tpu.memory_space<vmem>>, vector<16xf32>,
      %convert_element_type3A_154 = arith.sitofp %convert_element_type3A_149 : vector<16xi32> to vector<16xf32>
      %sub3A_155 = arith.subf %min3A_147, %convert_element_type3A_154 : vector<16xf32>
      %swap3A_156 = arith.index_cast %mul3A_107 : i32 to index
      %swap3A_157 = tpu.vector_load %arg17[%swap3A_156] {strides = array<i32>} : memref<2048xf32, #tpu.memory_space<vmem>>, vector<16xf32>,
      tpu.vector_store %arg17[%swap3A_156], %sub3A_155 {strides = array<i32>} : memref<2048xf32, #tpu.memory_space<vmem>>, vector<16xf32>,
      %add3A_158 = arith.constant 1 : i32
      %add3A_159 = vector.broadcast %add3A_158 : i32 to vector<16xi32>
      %add3A_160 = arith.addi %convert_element_type3A_148, %add3A_159 : vector<16xi32>
      %min3A_161 = arith.constant 2047 : i32
      %min3A_162 = vector.broadcast %min3A_161 : i32 to vector<16xi32>
      %min3A_163 = arith.minsi %add3A_160, %min3A_162 : vector<16xi32>
      %add3A_164 = arith.constant 1 : i32
      %add3A_165 = vector.broadcast %add3A_164 : i32 to vector<16xi32>
      %add3A_166 = arith.addi %convert_element_type3A_149, %add3A_165 : vector<16xi32>
      %min3A_167 = arith.constant 2047 : i32
      %min3A_168 = vector.broadcast %min3A_167 : i32 to vector<16xi32>
      %min3A_169 = arith.minsi %add3A_166, %min3A_168 : vector<16xi32>
      %shift_left3A_170 = arith.constant 11 : i32
      %shift_left3A_171 = vector.broadcast %shift_left3A_170 : i32 to vector<16xi32>
      %shift_left3A_172 = arith.shli %convert_element_type3A_149, %shift_left3A_171 : vector<16xi32>
      %shift_left3A_173 = arith.constant 11 : i32
      %shift_left3A_174 = vector.broadcast %shift_left3A_173 : i32 to vector<16xi32>
      %shift_left3A_175 = arith.shli %min3A_169, %shift_left3A_174 : vector<16xi32>
      %add3A_176 = arith.addi %shift_left3A_172, %convert_element_type3A_148 : vector<16xi32>
      %swap3A_177 = arith.index_cast %mul3A_107 : i32 to index
      %swap3A_178 = tpu.vector_load %arg8[%swap3A_177] {strides = array<i32>} : memref<2048xi32, #tpu.memory_space<vmem>>, vector<16xi32>,
      tpu.vector_store %arg8[%swap3A_177], %add3A_176 {strides = array<i32>} : memref<2048xi32, #tpu.memory_space<vmem>>, vector<16xi32>,
      %add3A_179 = arith.addi %shift_left3A_172, %min3A_163 : vector<16xi32>
      %swap3A_180 = arith.index_cast %mul3A_107 : i32 to index
      %swap3A_181 = tpu.vector_load %arg9[%swap3A_180] {strides = array<i32>} : memref<2048xi32, #tpu.memory_space<vmem>>, vector<16xi32>,
      tpu.vector_store %arg9[%swap3A_180], %add3A_179 {strides = array<i32>} : memref<2048xi32, #tpu.memory_space<vmem>>, vector<16xi32>,
      %add3A_182 = arith.addi %shift_left3A_175, %convert_element_type3A_148 : vector<16xi32>
      %swap3A_183 = arith.index_cast %mul3A_107 : i32 to index
      %swap3A_184 = tpu.vector_load %arg10[%swap3A_183] {strides = array<i32>} : memref<2048xi32, #tpu.memory_space<vmem>>, vector<16xi32>,
      tpu.vector_store %arg10[%swap3A_183], %add3A_182 {strides = array<i32>} : memref<2048xi32, #tpu.memory_space<vmem>>, vector<16xi32>,
      %add3A_185 = arith.addi %shift_left3A_175, %min3A_163 : vector<16xi32>
      %swap3A_186 = arith.index_cast %mul3A_107 : i32 to index
      %swap3A_187 = tpu.vector_load %arg11[%swap3A_186] {strides = array<i32>} : memref<2048xi32, #tpu.memory_space<vmem>>, vector<16xi32>,
      tpu.vector_store %arg11[%swap3A_186], %add3A_185 {strides = array<i32>} : memref<2048xi32, #tpu.memory_space<vmem>>, vector<16xi32>,
    }
    %scan3A_9 = arith.constant 128 : i32
    %dma_start3A = arith.constant 0 : i32
    %dma_start3A_10 = tpu.memref_slice %arg4[%dma_start3A] : memref<4194304xf32, #tpu.memory_space<hbm>> -> memref<4194304xf32, #tpu.memory_space<hbm>>
    tpu.enqueue_indirect_dma source(%dma_start3A_10 : memref<4194304xf32, #tpu.memory_space<hbm>>) target(%arg12 : memref<2048xf32, #tpu.memory_space<vmem>>) offsets(%arg8 : memref<2048xi32, #tpu.memory_space<vmem>>) semaphore(%arg32 : memref<!tpu.dma_semaphore, #tpu.memory_space<semaphore_mem>>)
    %dma_start3A_11 = arith.constant 0 : i32
    %dma_start3A_12 = tpu.memref_slice %arg4[%dma_start3A_11] : memref<4194304xf32, #tpu.memory_space<hbm>> -> memref<4194304xf32, #tpu.memory_space<hbm>>
    tpu.enqueue_indirect_dma source(%dma_start3A_12 : memref<4194304xf32, #tpu.memory_space<hbm>>) target(%arg13 : memref<2048xf32, #tpu.memory_space<vmem>>) offsets(%arg9 : memref<2048xi32, #tpu.memory_space<vmem>>) semaphore(%arg32 : memref<!tpu.dma_semaphore, #tpu.memory_space<semaphore_mem>>)
    %dma_start3A_13 = arith.constant 0 : i32
    %dma_start3A_14 = tpu.memref_slice %arg4[%dma_start3A_13] : memref<4194304xf32, #tpu.memory_space<hbm>> -> memref<4194304xf32, #tpu.memory_space<hbm>>
    tpu.enqueue_indirect_dma source(%dma_start3A_14 : memref<4194304xf32, #tpu.memory_space<hbm>>) target(%arg14 : memref<2048xf32, #tpu.memory_space<vmem>>) offsets(%arg10 : memref<2048xi32, #tpu.memory_space<vmem>>) semaphore(%arg32 : memref<!tpu.dma_semaphore, #tpu.memory_space<semaphore_mem>>)
    %dma_start3A_15 = arith.constant 0 : i32
    %dma_start3A_16 = tpu.memref_slice %arg4[%dma_start3A_15] : memref<4194304xf32, #tpu.memory_space<hbm>> -> memref<4194304xf32, #tpu.memory_space<hbm>>
    tpu.enqueue_indirect_dma source(%dma_start3A_16 : memref<4194304xf32, #tpu.memory_space<hbm>>) target(%arg15 : memref<2048xf32, #tpu.memory_space<vmem>>) offsets(%arg11 : memref<2048xi32, #tpu.memory_space<vmem>>) semaphore(%arg32 : memref<!tpu.dma_semaphore, #tpu.memory_space<semaphore_mem>>)
    %scan3A_17 = arith.constant 0 : i32
    %scan3A_18 = arith.constant 0 : i32
    %scan3A_19 = arith.constant 8 : i32
    %scan3A_20 = arith.addi %scan3A_18, %scan3A_19 : i32
    %scan3A_21 = arith.constant 1 : i32
    scf.for %scan3A_28 = %scan3A_18 to %scan3A_20 step %scan3A_21  : i32 {
      %mul3A_29 = arith.constant 2 : i32
      %mul3A_30 = arith.muli %mul3A_29, %scan3A_28 : i32
      %add3A_31 = arith.constant 1 : i32
      %add3A_32 = arith.addi %mul3A_30, %add3A_31 : i32
      %mul3A_33 = arith.constant 2048 : i32
      %mul3A_34 = arith.muli %add3A_32, %mul3A_33 : i32
      %add3A_35 = arith.addi %mul3A_2, %mul3A_34 : i32
      "tpu.region"() ({
        %run_scoped3A = tpu.sem_alloc : memref<!tpu.dma_semaphore, #tpu.memory_space<semaphore_mem>>
        %dma_start3A_104 = tpu.memref_slice %arg2[%add3A_35] : memref<1048576xf32, #tpu.memory_space<hbm>> -> memref<2048xf32, #tpu.memory_space<hbm>>
        %dma_start3A_105 = tpu.memref_slice %arg2[%add3A_35] : memref<1048576xf32, #tpu.memory_space<hbm>> -> memref<2048xf32, #tpu.memory_space<hbm>>
        tpu.enqueue_dma source(%dma_start3A_105 : memref<2048xf32, #tpu.memory_space<hbm>>) target(%arg19 : memref<2048xf32, #tpu.memory_space<vmem>>) target_semaphore(%run_scoped3A : memref<!tpu.dma_semaphore, #tpu.memory_space<semaphore_mem>>)
        %dma_wait3A_106 = tpu.memref_slice %arg2[%add3A_35] : memref<1048576xf32, #tpu.memory_space<hbm>> -> memref<2048xf32, #tpu.memory_space<hbm>>
        %dma_wait3A_107 = tpu.memref_slice %arg2[%add3A_35] : memref<1048576xf32, #tpu.memory_space<hbm>> -> memref<2048xf32, #tpu.memory_space<hbm>>
        tpu.wait_dma2 semaphore(%run_scoped3A : memref<!tpu.dma_semaphore, #tpu.memory_space<semaphore_mem>>) src(%dma_wait3A_107 : memref<2048xf32, #tpu.memory_space<hbm>>) dst(%arg19 : memref<2048xf32, #tpu.memory_space<vmem>>)
        tpu.yield
      }) : () -> ()
      "tpu.region"() ({
        %run_scoped3A = tpu.sem_alloc : memref<!tpu.dma_semaphore, #tpu.memory_space<semaphore_mem>>
        %dma_start3A_104 = tpu.memref_slice %arg3[%add3A_35] : memref<1048576xf32, #tpu.memory_space<hbm>> -> memref<2048xf32, #tpu.memory_space<hbm>>
        %dma_start3A_105 = tpu.memref_slice %arg3[%add3A_35] : memref<1048576xf32, #tpu.memory_space<hbm>> -> memref<2048xf32, #tpu.memory_space<hbm>>
        tpu.enqueue_dma source(%dma_start3A_105 : memref<2048xf32, #tpu.memory_space<hbm>>) target(%arg20 : memref<2048xf32, #tpu.memory_space<vmem>>) target_semaphore(%run_scoped3A : memref<!tpu.dma_semaphore, #tpu.memory_space<semaphore_mem>>)
        %dma_wait3A_106 = tpu.memref_slice %arg3[%add3A_35] : memref<1048576xf32, #tpu.memory_space<hbm>> -> memref<2048xf32, #tpu.memory_space<hbm>>
        %dma_wait3A_107 = tpu.memref_slice %arg3[%add3A_35] : memref<1048576xf32, #tpu.memory_space<hbm>> -> memref<2048xf32, #tpu.memory_space<hbm>>
        tpu.wait_dma2 semaphore(%run_scoped3A : memref<!tpu.dma_semaphore, #tpu.memory_space<semaphore_mem>>) src(%dma_wait3A_107 : memref<2048xf32, #tpu.memory_space<hbm>>) dst(%arg20 : memref<2048xf32, #tpu.memory_space<vmem>>)
        tpu.yield
      }) : () -> ()
      %scan3A_36 = arith.constant 0 : i32
      %scan3A_37 = arith.constant 0 : i32
      %scan3A_38 = arith.constant 128 : i32
      %scan3A_39 = arith.addi %scan3A_37, %scan3A_38 : i32
      %scan3A_40 = arith.constant 2 : i32
      scf.for %scan3A_104 = %scan3A_37 to %scan3A_39 step %scan3A_40  : i32 {
        %mul3A_105 = arith.constant 16 : i32
        %mul3A_106 = arith.muli %scan3A_104, %mul3A_105 : i32
        %get3A = arith.index_cast %mul3A_106 : i32 to index
        %get3A_107 = tpu.vector_load %arg19[%get3A] {strides = array<i32>} : memref<2048xf32, #tpu.memory_space<vmem>>, vector<16xf32>,
        %get3A_108 = arith.index_cast %mul3A_106 : i32 to index
        %get3A_109 = tpu.vector_load %arg20[%get3A_108] {strides = array<i32>} : memref<2048xf32, #tpu.memory_space<vmem>>, vector<16xf32>,
        %add3A_110 = arith.constant 1.000000e+00 : f32
        %add3A_111 = vector.broadcast %add3A_110 : f32 to vector<16xf32>
        %add3A_112 = arith.addf %get3A_107, %add3A_111 : vector<16xf32>
        %mul3A_113 = arith.constant 2.048000e+03 : f32
        %mul3A_114 = vector.broadcast %mul3A_113 : f32 to vector<16xf32>
        %mul3A_115 = arith.mulf %add3A_112, %mul3A_114 : vector<16xf32>
        %sub3A = arith.constant 1.000000e+00 : f32
        %sub3A_116 = vector.broadcast %sub3A : f32 to vector<16xf32>
        %sub3A_117 = arith.subf %mul3A_115, %sub3A_116 : vector<16xf32>
        %mul3A_118 = arith.constant 5.000000e-01 : f32
        %mul3A_119 = vector.broadcast %mul3A_118 : f32 to vector<16xf32>
        %mul3A_120 = arith.mulf %sub3A_117, %mul3A_119 : vector<16xf32>
        %add3A_121 = arith.constant 1.000000e+00 : f32
        %add3A_122 = vector.broadcast %add3A_121 : f32 to vector<16xf32>
        %add3A_123 = arith.addf %get3A_109, %add3A_122 : vector<16xf32>
        %mul3A_124 = arith.constant 2.048000e+03 : f32
        %mul3A_125 = vector.broadcast %mul3A_124 : f32 to vector<16xf32>
        %mul3A_126 = arith.mulf %add3A_123, %mul3A_125 : vector<16xf32>
        %sub3A_127 = arith.constant 1.000000e+00 : f32
        %sub3A_128 = vector.broadcast %sub3A_127 : f32 to vector<16xf32>
        %sub3A_129 = arith.subf %mul3A_126, %sub3A_128 : vector<16xf32>
        %mul3A_130 = arith.constant 5.000000e-01 : f32
        %mul3A_131 = vector.broadcast %mul3A_130 : f32 to vector<16xf32>
        %mul3A_132 = arith.mulf %sub3A_129, %mul3A_131 : vector<16xf32>
        %max3A = arith.constant 0.000000e+00 : f32
        %max3A_133 = vector.broadcast %max3A : f32 to vector<16xf32>
        %max3A_134 = arith.maximumf %mul3A_120, %max3A_133 : vector<16xf32>
        %min3A = arith.constant 2.047000e+03 : f32
        %min3A_135 = vector.broadcast %min3A : f32 to vector<16xf32>
        %min3A_136 = arith.minimumf %max3A_134, %min3A_135 : vector<16xf32>
        %max3A_137 = arith.constant 0.000000e+00 : f32
        %max3A_138 = vector.broadcast %max3A_137 : f32 to vector<16xf32>
        %max3A_139 = arith.maximumf %mul3A_132, %max3A_138 : vector<16xf32>
        %min3A_140 = arith.constant 2.047000e+03 : f32
        %min3A_141 = vector.broadcast %min3A_140 : f32 to vector<16xf32>
        %min3A_142 = arith.minimumf %max3A_139, %min3A_141 : vector<16xf32>
        %convert_element_type3A_143 = arith.fptosi %min3A_136 : vector<16xf32> to vector<16xi32>
        %convert_element_type3A_144 = arith.fptosi %min3A_142 : vector<16xf32> to vector<16xi32>
        %convert_element_type3A_145 = arith.sitofp %convert_element_type3A_143 : vector<16xi32> to vector<16xf32>
        %sub3A_146 = arith.subf %min3A_136, %convert_element_type3A_145 : vector<16xf32>
        %swap3A = arith.index_cast %mul3A_106 : i32 to index
        %swap3A_147 = tpu.vector_load %arg29[%swap3A] {strides = array<i32>} : memref<2048xf32, #tpu.memory_space<vmem>>, vector<16xf32>,
        tpu.vector_store %arg29[%swap3A], %sub3A_146 {strides = array<i32>} : memref<2048xf32, #tpu.memory_space<vmem>>, vector<16xf32>,
        %convert_element_type3A_148 = arith.sitofp %convert_element_type3A_144 : vector<16xi32> to vector<16xf32>
        %sub3A_149 = arith.subf %min3A_142, %convert_element_type3A_148 : vector<16xf32>
        %swap3A_150 = arith.index_cast %mul3A_106 : i32 to index
        %swap3A_151 = tpu.vector_load %arg30[%swap3A_150] {strides = array<i32>} : memref<2048xf32, #tpu.memory_space<vmem>>, vector<16xf32>,
        tpu.vector_store %arg30[%swap3A_150], %sub3A_149 {strides = array<i32>} : memref<2048xf32, #tpu.memory_space<vmem>>, vector<16xf32>,
        %add3A_152 = arith.constant 1 : i32
        %add3A_153 = vector.broadcast %add3A_152 : i32 to vector<16xi32>
        %add3A_154 = arith.addi %convert_element_type3A_143, %add3A_153 : vector<16xi32>
        %min3A_155 = arith.constant 2047 : i32
        %min3A_156 = vector.broadcast %min3A_155 : i32 to vector<16xi32>
        %min3A_157 = arith.minsi %add3A_154, %min3A_156 : vector<16xi32>
        %add3A_158 = arith.constant 1 : i32
        %add3A_159 = vector.broadcast %add3A_158 : i32 to vector<16xi32>
        %add3A_160 = arith.addi %convert_element_type3A_144, %add3A_159 : vector<16xi32>
        %min3A_161 = arith.constant 2047 : i32
        %min3A_162 = vector.broadcast %min3A_161 : i32 to vector<16xi32>
        %min3A_163 = arith.minsi %add3A_160, %min3A_162 : vector<16xi32>
        %shift_left3A = arith.constant 11 : i32
        %shift_left3A_164 = vector.broadcast %shift_left3A : i32 to vector<16xi32>
        %shift_left3A_165 = arith.shli %convert_element_type3A_144, %shift_left3A_164 : vector<16xi32>
        %shift_left3A_166 = arith.constant 11 : i32
        %shift_left3A_167 = vector.broadcast %shift_left3A_166 : i32 to vector<16xi32>
        %shift_left3A_168 = arith.shli %min3A_163, %shift_left3A_167 : vector<16xi32>
        %add3A_169 = arith.addi %shift_left3A_165, %convert_element_type3A_143 : vector<16xi32>
        %swap3A_170 = arith.index_cast %mul3A_106 : i32 to index
        %swap3A_171 = tpu.vector_load %arg21[%swap3A_170] {strides = array<i32>} : memref<2048xi32, #tpu.memory_space<vmem>>, vector<16xi32>,
        tpu.vector_store %arg21[%swap3A_170], %add3A_169 {strides = array<i32>} : memref<2048xi32, #tpu.memory_space<vmem>>, vector<16xi32>,
        %add3A_172 = arith.addi %shift_left3A_165, %min3A_157 : vector<16xi32>
        %swap3A_173 = arith.index_cast %mul3A_106 : i32 to index
        %swap3A_174 = tpu.vector_load %arg22[%swap3A_173] {strides = array<i32>} : memref<2048xi32, #tpu.memory_space<vmem>>, vector<16xi32>,
        tpu.vector_store %arg22[%swap3A_173], %add3A_172 {strides = array<i32>} : memref<2048xi32, #tpu.memory_space<vmem>>, vector<16xi32>,
        %add3A_175 = arith.addi %shift_left3A_168, %convert_element_type3A_143 : vector<16xi32>
        %swap3A_176 = arith.index_cast %mul3A_106 : i32 to index
        %swap3A_177 = tpu.vector_load %arg23[%swap3A_176] {strides = array<i32>} : memref<2048xi32, #tpu.memory_space<vmem>>, vector<16xi32>,
        tpu.vector_store %arg23[%swap3A_176], %add3A_175 {strides = array<i32>} : memref<2048xi32, #tpu.memory_space<vmem>>, vector<16xi32>,
        %add3A_178 = arith.addi %shift_left3A_168, %min3A_157 : vector<16xi32>
        %swap3A_179 = arith.index_cast %mul3A_106 : i32 to index
        %swap3A_180 = tpu.vector_load %arg24[%swap3A_179] {strides = array<i32>} : memref<2048xi32, #tpu.memory_space<vmem>>, vector<16xi32>,
        tpu.vector_store %arg24[%swap3A_179], %add3A_178 {strides = array<i32>} : memref<2048xi32, #tpu.memory_space<vmem>>, vector<16xi32>,
        %scan3A_181 = arith.constant 1 : i32
        %scan3A_182 = arith.addi %scan3A_104, %scan3A_181 : i32
        %mul3A_183 = arith.constant 16 : i32
        %mul3A_184 = arith.muli %scan3A_182, %mul3A_183 : i32
        %get3A_185 = arith.index_cast %mul3A_184 : i32 to index
        %get3A_186 = tpu.vector_load %arg19[%get3A_185] {strides = array<i32>} : memref<2048xf32, #tpu.memory_space<vmem>>, vector<16xf32>,
        %get3A_187 = arith.index_cast %mul3A_184 : i32 to index
        %get3A_188 = tpu.vector_load %arg20[%get3A_187] {strides = array<i32>} : memref<2048xf32, #tpu.memory_space<vmem>>, vector<16xf32>,
        %add3A_189 = arith.constant 1.000000e+00 : f32
        %add3A_190 = vector.broadcast %add3A_189 : f32 to vector<16xf32>
        %add3A_191 = arith.addf %get3A_186, %add3A_190 : vector<16xf32>
        %mul3A_192 = arith.constant 2.048000e+03 : f32
        %mul3A_193 = vector.broadcast %mul3A_192 : f32 to vector<16xf32>
        %mul3A_194 = arith.mulf %add3A_191, %mul3A_193 : vector<16xf32>
        %sub3A_195 = arith.constant 1.000000e+00 : f32
        %sub3A_196 = vector.broadcast %sub3A_195 : f32 to vector<16xf32>
        %sub3A_197 = arith.subf %mul3A_194, %sub3A_196 : vector<16xf32>
        %mul3A_198 = arith.constant 5.000000e-01 : f32
        %mul3A_199 = vector.broadcast %mul3A_198 : f32 to vector<16xf32>
        %mul3A_200 = arith.mulf %sub3A_197, %mul3A_199 : vector<16xf32>
        %add3A_201 = arith.constant 1.000000e+00 : f32
        %add3A_202 = vector.broadcast %add3A_201 : f32 to vector<16xf32>
        %add3A_203 = arith.addf %get3A_188, %add3A_202 : vector<16xf32>
        %mul3A_204 = arith.constant 2.048000e+03 : f32
        %mul3A_205 = vector.broadcast %mul3A_204 : f32 to vector<16xf32>
        %mul3A_206 = arith.mulf %add3A_203, %mul3A_205 : vector<16xf32>
        %sub3A_207 = arith.constant 1.000000e+00 : f32
        %sub3A_208 = vector.broadcast %sub3A_207 : f32 to vector<16xf32>
        %sub3A_209 = arith.subf %mul3A_206, %sub3A_208 : vector<16xf32>
        %mul3A_210 = arith.constant 5.000000e-01 : f32
        %mul3A_211 = vector.broadcast %mul3A_210 : f32 to vector<16xf32>
        %mul3A_212 = arith.mulf %sub3A_209, %mul3A_211 : vector<16xf32>
        %max3A_213 = arith.constant 0.000000e+00 : f32
        %max3A_214 = vector.broadcast %max3A_213 : f32 to vector<16xf32>
        %max3A_215 = arith.maximumf %mul3A_200, %max3A_214 : vector<16xf32>
        %min3A_216 = arith.constant 2.047000e+03 : f32
        %min3A_217 = vector.broadcast %min3A_216 : f32 to vector<16xf32>
        %min3A_218 = arith.minimumf %max3A_215, %min3A_217 : vector<16xf32>
        %max3A_219 = arith.constant 0.000000e+00 : f32
        %max3A_220 = vector.broadcast %max3A_219 : f32 to vector<16xf32>
        %max3A_221 = arith.maximumf %mul3A_212, %max3A_220 : vector<16xf32>
        %min3A_222 = arith.constant 2.047000e+03 : f32
        %min3A_223 = vector.broadcast %min3A_222 : f32 to vector<16xf32>
        %min3A_224 = arith.minimumf %max3A_221, %min3A_223 : vector<16xf32>
        %convert_element_type3A_225 = arith.fptosi %min3A_218 : vector<16xf32> to vector<16xi32>
        %convert_element_type3A_226 = arith.fptosi %min3A_224 : vector<16xf32> to vector<16xi32>
        %convert_element_type3A_227 = arith.sitofp %convert_element_type3A_225 : vector<16xi32> to vector<16xf32>
        %sub3A_228 = arith.subf %min3A_218, %convert_element_type3A_227 : vector<16xf32>
        %swap3A_229 = arith.index_cast %mul3A_184 : i32 to index
        %swap3A_230 = tpu.vector_load %arg29[%swap3A_229] {strides = array<i32>} : memref<2048xf32, #tpu.memory_space<vmem>>, vector<16xf32>,
        tpu.vector_store %arg29[%swap3A_229], %sub3A_228 {strides = array<i32>} : memref<2048xf32, #tpu.memory_space<vmem>>, vector<16xf32>,
        %convert_element_type3A_231 = arith.sitofp %convert_element_type3A_226 : vector<16xi32> to vector<16xf32>
        %sub3A_232 = arith.subf %min3A_224, %convert_element_type3A_231 : vector<16xf32>
        %swap3A_233 = arith.index_cast %mul3A_184 : i32 to index
        %swap3A_234 = tpu.vector_load %arg30[%swap3A_233] {strides = array<i32>} : memref<2048xf32, #tpu.memory_space<vmem>>, vector<16xf32>,
        tpu.vector_store %arg30[%swap3A_233], %sub3A_232 {strides = array<i32>} : memref<2048xf32, #tpu.memory_space<vmem>>, vector<16xf32>,
        %add3A_235 = arith.constant 1 : i32
        %add3A_236 = vector.broadcast %add3A_235 : i32 to vector<16xi32>
        %add3A_237 = arith.addi %convert_element_type3A_225, %add3A_236 : vector<16xi32>
        %min3A_238 = arith.constant 2047 : i32
        %min3A_239 = vector.broadcast %min3A_238 : i32 to vector<16xi32>
        %min3A_240 = arith.minsi %add3A_237, %min3A_239 : vector<16xi32>
        %add3A_241 = arith.constant 1 : i32
        %add3A_242 = vector.broadcast %add3A_241 : i32 to vector<16xi32>
        %add3A_243 = arith.addi %convert_element_type3A_226, %add3A_242 : vector<16xi32>
        %min3A_244 = arith.constant 2047 : i32
        %min3A_245 = vector.broadcast %min3A_244 : i32 to vector<16xi32>
        %min3A_246 = arith.minsi %add3A_243, %min3A_245 : vector<16xi32>
        %shift_left3A_247 = arith.constant 11 : i32
        %shift_left3A_248 = vector.broadcast %shift_left3A_247 : i32 to vector<16xi32>
        %shift_left3A_249 = arith.shli %convert_element_type3A_226, %shift_left3A_248 : vector<16xi32>
        %shift_left3A_250 = arith.constant 11 : i32
        %shift_left3A_251 = vector.broadcast %shift_left3A_250 : i32 to vector<16xi32>
        %shift_left3A_252 = arith.shli %min3A_246, %shift_left3A_251 : vector<16xi32>
        %add3A_253 = arith.addi %shift_left3A_249, %convert_element_type3A_225 : vector<16xi32>
        %swap3A_254 = arith.index_cast %mul3A_184 : i32 to index
        %swap3A_255 = tpu.vector_load %arg21[%swap3A_254] {strides = array<i32>} : memref<2048xi32, #tpu.memory_space<vmem>>, vector<16xi32>,
        tpu.vector_store %arg21[%swap3A_254], %add3A_253 {strides = array<i32>} : memref<2048xi32, #tpu.memory_space<vmem>>, vector<16xi32>,
        %add3A_256 = arith.addi %shift_left3A_249, %min3A_240 : vector<16xi32>
        %swap3A_257 = arith.index_cast %mul3A_184 : i32 to index
        %swap3A_258 = tpu.vector_load %arg22[%swap3A_257] {strides = array<i32>} : memref<2048xi32, #tpu.memory_space<vmem>>, vector<16xi32>,
        tpu.vector_store %arg22[%swap3A_257], %add3A_256 {strides = array<i32>} : memref<2048xi32, #tpu.memory_space<vmem>>, vector<16xi32>,
        %add3A_259 = arith.addi %shift_left3A_252, %convert_element_type3A_225 : vector<16xi32>
        %swap3A_260 = arith.index_cast %mul3A_184 : i32 to index
        %swap3A_261 = tpu.vector_load %arg23[%swap3A_260] {strides = array<i32>} : memref<2048xi32, #tpu.memory_space<vmem>>, vector<16xi32>,
        tpu.vector_store %arg23[%swap3A_260], %add3A_259 {strides = array<i32>} : memref<2048xi32, #tpu.memory_space<vmem>>, vector<16xi32>,
        %add3A_262 = arith.addi %shift_left3A_252, %min3A_240 : vector<16xi32>
        %swap3A_263 = arith.index_cast %mul3A_184 : i32 to index
        %swap3A_264 = tpu.vector_load %arg24[%swap3A_263] {strides = array<i32>} : memref<2048xi32, #tpu.memory_space<vmem>>, vector<16xi32>,
        tpu.vector_store %arg24[%swap3A_263], %add3A_262 {strides = array<i32>} : memref<2048xi32, #tpu.memory_space<vmem>>, vector<16xi32>,
      }
      %scan3A_41 = arith.constant 128 : i32
      %dma_start3A_42 = arith.constant 0 : i32
      %dma_start3A_43 = tpu.memref_slice %arg4[%dma_start3A_42] : memref<4194304xf32, #tpu.memory_space<hbm>> -> memref<4194304xf32, #tpu.memory_space<hbm>>
      tpu.enqueue_indirect_dma source(%dma_start3A_43 : memref<4194304xf32, #tpu.memory_space<hbm>>) target(%arg25 : memref<2048xf32, #tpu.memory_space<vmem>>) offsets(%arg21 : memref<2048xi32, #tpu.memory_space<vmem>>) semaphore(%arg33 : memref<!tpu.dma_semaphore, #tpu.memory_space<semaphore_mem>>)
      %dma_start3A_44 = arith.constant 0 : i32
      %dma_start3A_45 = tpu.memref_slice %arg4[%dma_start3A_44] : memref<4194304xf32, #tpu.memory_space<hbm>> -> memref<4194304xf32, #tpu.memory_space<hbm>>
      tpu.enqueue_indirect_dma source(%dma_start3A_45 : memref<4194304xf32, #tpu.memory_space<hbm>>) target(%arg26 : memref<2048xf32, #tpu.memory_space<vmem>>) offsets(%arg22 : memref<2048xi32, #tpu.memory_space<vmem>>) semaphore(%arg33 : memref<!tpu.dma_semaphore, #tpu.memory_space<semaphore_mem>>)
      %dma_start3A_46 = arith.constant 0 : i32
      %dma_start3A_47 = tpu.memref_slice %arg4[%dma_start3A_46] : memref<4194304xf32, #tpu.memory_space<hbm>> -> memref<4194304xf32, #tpu.memory_space<hbm>>
      tpu.enqueue_indirect_dma source(%dma_start3A_47 : memref<4194304xf32, #tpu.memory_space<hbm>>) target(%arg27 : memref<2048xf32, #tpu.memory_space<vmem>>) offsets(%arg23 : memref<2048xi32, #tpu.memory_space<vmem>>) semaphore(%arg33 : memref<!tpu.dma_semaphore, #tpu.memory_space<semaphore_mem>>)
      %dma_start3A_48 = arith.constant 0 : i32
      %dma_start3A_49 = tpu.memref_slice %arg4[%dma_start3A_48] : memref<4194304xf32, #tpu.memory_space<hbm>> -> memref<4194304xf32, #tpu.memory_space<hbm>>
      tpu.enqueue_indirect_dma source(%dma_start3A_49 : memref<4194304xf32, #tpu.memory_space<hbm>>) target(%arg28 : memref<2048xf32, #tpu.memory_space<vmem>>) offsets(%arg24 : memref<2048xi32, #tpu.memory_space<vmem>>) semaphore(%arg33 : memref<!tpu.dma_semaphore, #tpu.memory_space<semaphore_mem>>)
      %dma_wait3A_50 = arith.constant 0 : i32
      %dma_wait3A_51 = tpu.memref_slice %arg4[%dma_wait3A_50] : memref<4194304xf32, #tpu.memory_space<hbm>> -> memref<4194304xf32, #tpu.memory_space<hbm>>
      tpu.wait_indirect_dma semaphore(%arg32 : memref<!tpu.dma_semaphore, #tpu.memory_space<semaphore_mem>>) src(%dma_wait3A_51 : memref<4194304xf32, #tpu.memory_space<hbm>>) dst(%arg12 : memref<2048xf32, #tpu.memory_space<vmem>>)
      %dma_wait3A_52 = arith.constant 0 : i32
      %dma_wait3A_53 = tpu.memref_slice %arg4[%dma_wait3A_52] : memref<4194304xf32, #tpu.memory_space<hbm>> -> memref<4194304xf32, #tpu.memory_space<hbm>>
      tpu.wait_indirect_dma semaphore(%arg32 : memref<!tpu.dma_semaphore, #tpu.memory_space<semaphore_mem>>) src(%dma_wait3A_53 : memref<4194304xf32, #tpu.memory_space<hbm>>) dst(%arg13 : memref<2048xf32, #tpu.memory_space<vmem>>)
      %dma_wait3A_54 = arith.constant 0 : i32
      %dma_wait3A_55 = tpu.memref_slice %arg4[%dma_wait3A_54] : memref<4194304xf32, #tpu.memory_space<hbm>> -> memref<4194304xf32, #tpu.memory_space<hbm>>
      tpu.wait_indirect_dma semaphore(%arg32 : memref<!tpu.dma_semaphore, #tpu.memory_space<semaphore_mem>>) src(%dma_wait3A_55 : memref<4194304xf32, #tpu.memory_space<hbm>>) dst(%arg14 : memref<2048xf32, #tpu.memory_space<vmem>>)
      %dma_wait3A_56 = arith.constant 0 : i32
      %dma_wait3A_57 = tpu.memref_slice %arg4[%dma_wait3A_56] : memref<4194304xf32, #tpu.memory_space<hbm>> -> memref<4194304xf32, #tpu.memory_space<hbm>>
      tpu.wait_indirect_dma semaphore(%arg32 : memref<!tpu.dma_semaphore, #tpu.memory_space<semaphore_mem>>) src(%dma_wait3A_57 : memref<4194304xf32, #tpu.memory_space<hbm>>) dst(%arg15 : memref<2048xf32, #tpu.memory_space<vmem>>)
      %eq3A = arith.constant 0 : i32
      %eq3A_58 = arith.cmpi eq, %scan3A_28, %eq3A : i32
      %mul3A_59 = arith.constant 2048 : i32
      %mul3A_60 = arith.muli %mul3A_30, %mul3A_59 : i32
      %add3A_61 = arith.addi %mul3A_2, %mul3A_60 : i32
      %not3A = arith.constant true
      %not3A_62 = arith.xori %eq3A_58, %not3A : i1
      %convert_element_type3A = arith.extui %not3A_62 : i1 to i32
      %cond3A = arith.constant 0 : i32
      %cond3A_63 = arith.cmpi ne, %convert_element_type3A, %cond3A : i32
      scf.if %cond3A_63 {
        %dma_wait3A_104 = tpu.memref_slice %arg5[%add3A_61] : memref<1048576xf32, #tpu.memory_space<hbm>> -> memref<2048xf32, #tpu.memory_space<hbm>>
        %dma_wait3A_105 = tpu.memref_slice %arg5[%add3A_61] : memref<1048576xf32, #tpu.memory_space<hbm>> -> memref<2048xf32, #tpu.memory_space<hbm>>
        tpu.wait_dma2 semaphore(%arg34 : memref<!tpu.dma_semaphore, #tpu.memory_space<semaphore_mem>>) src(%arg18 : memref<2048xf32, #tpu.memory_space<vmem>>) dst(%dma_wait3A_105 : memref<2048xf32, #tpu.memory_space<hbm>>)
      } else {
      }
      %scan3A_64 = arith.constant 0 : i32
      %scan3A_65 = arith.constant 0 : i32
      %scan3A_66 = arith.constant 128 : i32
      %scan3A_67 = arith.addi %scan3A_65, %scan3A_66 : i32
      %scan3A_68 = arith.constant 2 : i32
      scf.for %scan3A_104 = %scan3A_65 to %scan3A_67 step %scan3A_68  : i32 {
        %mul3A_105 = arith.constant 16 : i32
        %mul3A_106 = arith.muli %scan3A_104, %mul3A_105 : i32
        %get3A = arith.index_cast %mul3A_106 : i32 to index
        %get3A_107 = tpu.vector_load %arg16[%get3A] {strides = array<i32>} : memref<2048xf32, #tpu.memory_space<vmem>>, vector<16xf32>,
        %get3A_108 = arith.index_cast %mul3A_106 : i32 to index
        %get3A_109 = tpu.vector_load %arg17[%get3A_108] {strides = array<i32>} : memref<2048xf32, #tpu.memory_space<vmem>>, vector<16xf32>,
        %get3A_110 = arith.index_cast %mul3A_106 : i32 to index
        %get3A_111 = tpu.vector_load %arg12[%get3A_110] {strides = array<i32>} : memref<2048xf32, #tpu.memory_space<vmem>>, vector<16xf32>,
        %get3A_112 = arith.index_cast %mul3A_106 : i32 to index
        %get3A_113 = tpu.vector_load %arg13[%get3A_112] {strides = array<i32>} : memref<2048xf32, #tpu.memory_space<vmem>>, vector<16xf32>,
        %get3A_114 = arith.index_cast %mul3A_106 : i32 to index
        %get3A_115 = tpu.vector_load %arg14[%get3A_114] {strides = array<i32>} : memref<2048xf32, #tpu.memory_space<vmem>>, vector<16xf32>,
        %get3A_116 = arith.index_cast %mul3A_106 : i32 to index
        %get3A_117 = tpu.vector_load %arg15[%get3A_116] {strides = array<i32>} : memref<2048xf32, #tpu.memory_space<vmem>>, vector<16xf32>,
        %sub3A = arith.subf %get3A_113, %get3A_111 : vector<16xf32>
        %mul3A_118 = arith.mulf %sub3A, %get3A_107 : vector<16xf32>
        %add3A_119 = arith.addf %get3A_111, %mul3A_118 : vector<16xf32>
        %sub3A_120 = arith.subf %get3A_117, %get3A_115 : vector<16xf32>
        %mul3A_121 = arith.mulf %sub3A_120, %get3A_107 : vector<16xf32>
        %add3A_122 = arith.addf %get3A_115, %mul3A_121 : vector<16xf32>
        %sub3A_123 = arith.subf %add3A_122, %add3A_119 : vector<16xf32>
        %mul3A_124 = arith.mulf %sub3A_123, %get3A_109 : vector<16xf32>
        %add3A_125 = arith.addf %add3A_119, %mul3A_124 : vector<16xf32>
        %swap3A = arith.index_cast %mul3A_106 : i32 to index
        %swap3A_126 = tpu.vector_load %arg18[%swap3A] {strides = array<i32>} : memref<2048xf32, #tpu.memory_space<vmem>>, vector<16xf32>,
        tpu.vector_store %arg18[%swap3A], %add3A_125 {strides = array<i32>} : memref<2048xf32, #tpu.memory_space<vmem>>, vector<16xf32>,
        %scan3A_127 = arith.constant 1 : i32
        %scan3A_128 = arith.addi %scan3A_104, %scan3A_127 : i32
        %mul3A_129 = arith.constant 16 : i32
        %mul3A_130 = arith.muli %scan3A_128, %mul3A_129 : i32
        %get3A_131 = arith.index_cast %mul3A_130 : i32 to index
        %get3A_132 = tpu.vector_load %arg16[%get3A_131] {strides = array<i32>} : memref<2048xf32, #tpu.memory_space<vmem>>, vector<16xf32>,
        %get3A_133 = arith.index_cast %mul3A_130 : i32 to index
        %get3A_134 = tpu.vector_load %arg17[%get3A_133] {strides = array<i32>} : memref<2048xf32, #tpu.memory_space<vmem>>, vector<16xf32>,
        %get3A_135 = arith.index_cast %mul3A_130 : i32 to index
        %get3A_136 = tpu.vector_load %arg12[%get3A_135] {strides = array<i32>} : memref<2048xf32, #tpu.memory_space<vmem>>, vector<16xf32>,
        %get3A_137 = arith.index_cast %mul3A_130 : i32 to index
        %get3A_138 = tpu.vector_load %arg13[%get3A_137] {strides = array<i32>} : memref<2048xf32, #tpu.memory_space<vmem>>, vector<16xf32>,
        %get3A_139 = arith.index_cast %mul3A_130 : i32 to index
        %get3A_140 = tpu.vector_load %arg14[%get3A_139] {strides = array<i32>} : memref<2048xf32, #tpu.memory_space<vmem>>, vector<16xf32>,
        %get3A_141 = arith.index_cast %mul3A_130 : i32 to index
        %get3A_142 = tpu.vector_load %arg15[%get3A_141] {strides = array<i32>} : memref<2048xf32, #tpu.memory_space<vmem>>, vector<16xf32>,
        %sub3A_143 = arith.subf %get3A_138, %get3A_136 : vector<16xf32>
        %mul3A_144 = arith.mulf %sub3A_143, %get3A_132 : vector<16xf32>
        %add3A_145 = arith.addf %get3A_136, %mul3A_144 : vector<16xf32>
        %sub3A_146 = arith.subf %get3A_142, %get3A_140 : vector<16xf32>
        %mul3A_147 = arith.mulf %sub3A_146, %get3A_132 : vector<16xf32>
        %add3A_148 = arith.addf %get3A_140, %mul3A_147 : vector<16xf32>
        %sub3A_149 = arith.subf %add3A_148, %add3A_145 : vector<16xf32>
        %mul3A_150 = arith.mulf %sub3A_149, %get3A_134 : vector<16xf32>
        %add3A_151 = arith.addf %add3A_145, %mul3A_150 : vector<16xf32>
        %swap3A_152 = arith.index_cast %mul3A_130 : i32 to index
        %swap3A_153 = tpu.vector_load %arg18[%swap3A_152] {strides = array<i32>} : memref<2048xf32, #tpu.memory_space<vmem>>, vector<16xf32>,
        tpu.vector_store %arg18[%swap3A_152], %add3A_151 {strides = array<i32>} : memref<2048xf32, #tpu.memory_space<vmem>>, vector<16xf32>,
      }
      %scan3A_69 = arith.constant 128 : i32
      %dma_start3A_70 = tpu.memref_slice %arg5[%add3A_61] : memref<1048576xf32, #tpu.memory_space<hbm>> -> memref<2048xf32, #tpu.memory_space<hbm>>
      %dma_start3A_71 = tpu.memref_slice %arg5[%add3A_61] : memref<1048576xf32, #tpu.memory_space<hbm>> -> memref<2048xf32, #tpu.memory_space<hbm>>
      tpu.enqueue_dma source(%arg18 : memref<2048xf32, #tpu.memory_space<vmem>>) target(%dma_start3A_71 : memref<2048xf32, #tpu.memory_space<hbm>>) target_semaphore(%arg34 : memref<!tpu.dma_semaphore, #tpu.memory_space<semaphore_mem>>)
      %lt3A = arith.constant 7 : i32
      %lt3A_72 = arith.cmpi slt, %scan3A_28, %lt3A : i32
      %convert_element_type3A_73 = arith.extui %lt3A_72 : i1 to i32
      %cond3A_74 = arith.constant 0 : i32
      %cond3A_75 = arith.cmpi ne, %convert_element_type3A_73, %cond3A_74 : i32
      scf.if %cond3A_75 {
        %add3A_104 = arith.constant 2 : i32
        %add3A_105 = arith.addi %mul3A_30, %add3A_104 : i32
        %mul3A_106 = arith.constant 2048 : i32
        %mul3A_107 = arith.muli %add3A_105, %mul3A_106 : i32
        %add3A_108 = arith.addi %mul3A_2, %mul3A_107 : i32
        "tpu.region"() ({
          %run_scoped3A = tpu.sem_alloc : memref<!tpu.dma_semaphore, #tpu.memory_space<semaphore_mem>>
          %dma_start3A_123 = tpu.memref_slice %arg2[%add3A_108] : memref<1048576xf32, #tpu.memory_space<hbm>> -> memref<2048xf32, #tpu.memory_space<hbm>>
          %dma_start3A_124 = tpu.memref_slice %arg2[%add3A_108] : memref<1048576xf32, #tpu.memory_space<hbm>> -> memref<2048xf32, #tpu.memory_space<hbm>>
          tpu.enqueue_dma source(%dma_start3A_124 : memref<2048xf32, #tpu.memory_space<hbm>>) target(%arg6 : memref<2048xf32, #tpu.memory_space<vmem>>) target_semaphore(%run_scoped3A : memref<!tpu.dma_semaphore, #tpu.memory_space<semaphore_mem>>)
          %dma_wait3A_125 = tpu.memref_slice %arg2[%add3A_108] : memref<1048576xf32, #tpu.memory_space<hbm>> -> memref<2048xf32, #tpu.memory_space<hbm>>
          %dma_wait3A_126 = tpu.memref_slice %arg2[%add3A_108] : memref<1048576xf32, #tpu.memory_space<hbm>> -> memref<2048xf32, #tpu.memory_space<hbm>>
          tpu.wait_dma2 semaphore(%run_scoped3A : memref<!tpu.dma_semaphore, #tpu.memory_space<semaphore_mem>>) src(%dma_wait3A_126 : memref<2048xf32, #tpu.memory_space<hbm>>) dst(%arg6 : memref<2048xf32, #tpu.memory_space<vmem>>)
          tpu.yield
        }) : () -> ()
        "tpu.region"() ({
          %run_scoped3A = tpu.sem_alloc : memref<!tpu.dma_semaphore, #tpu.memory_space<semaphore_mem>>
          %dma_start3A_123 = tpu.memref_slice %arg3[%add3A_108] : memref<1048576xf32, #tpu.memory_space<hbm>> -> memref<2048xf32, #tpu.memory_space<hbm>>
          %dma_start3A_124 = tpu.memref_slice %arg3[%add3A_108] : memref<1048576xf32, #tpu.memory_space<hbm>> -> memref<2048xf32, #tpu.memory_space<hbm>>
          tpu.enqueue_dma source(%dma_start3A_124 : memref<2048xf32, #tpu.memory_space<hbm>>) target(%arg7 : memref<2048xf32, #tpu.memory_space<vmem>>) target_semaphore(%run_scoped3A : memref<!tpu.dma_semaphore, #tpu.memory_space<semaphore_mem>>)
          %dma_wait3A_125 = tpu.memref_slice %arg3[%add3A_108] : memref<1048576xf32, #tpu.memory_space<hbm>> -> memref<2048xf32, #tpu.memory_space<hbm>>
          %dma_wait3A_126 = tpu.memref_slice %arg3[%add3A_108] : memref<1048576xf32, #tpu.memory_space<hbm>> -> memref<2048xf32, #tpu.memory_space<hbm>>
          tpu.wait_dma2 semaphore(%run_scoped3A : memref<!tpu.dma_semaphore, #tpu.memory_space<semaphore_mem>>) src(%dma_wait3A_126 : memref<2048xf32, #tpu.memory_space<hbm>>) dst(%arg7 : memref<2048xf32, #tpu.memory_space<vmem>>)
          tpu.yield
        }) : () -> ()
        %scan3A_109 = arith.constant 0 : i32
        %scan3A_110 = arith.constant 0 : i32
        %scan3A_111 = arith.constant 128 : i32
        %scan3A_112 = arith.addi %scan3A_110, %scan3A_111 : i32
        %scan3A_113 = arith.constant 2 : i32
        scf.for %scan3A_123 = %scan3A_110 to %scan3A_112 step %scan3A_113  : i32 {
          %mul3A_124 = arith.constant 16 : i32
          %mul3A_125 = arith.muli %scan3A_123, %mul3A_124 : i32
          %get3A = arith.index_cast %mul3A_125 : i32 to index
          %get3A_126 = tpu.vector_load %arg6[%get3A] {strides = array<i32>} : memref<2048xf32, #tpu.memory_space<vmem>>, vector<16xf32>,
          %get3A_127 = arith.index_cast %mul3A_125 : i32 to index
          %get3A_128 = tpu.vector_load %arg7[%get3A_127] {strides = array<i32>} : memref<2048xf32, #tpu.memory_space<vmem>>, vector<16xf32>,
          %add3A_129 = arith.constant 1.000000e+00 : f32
          %add3A_130 = vector.broadcast %add3A_129 : f32 to vector<16xf32>
          %add3A_131 = arith.addf %get3A_126, %add3A_130 : vector<16xf32>
          %mul3A_132 = arith.constant 2.048000e+03 : f32
          %mul3A_133 = vector.broadcast %mul3A_132 : f32 to vector<16xf32>
          %mul3A_134 = arith.mulf %add3A_131, %mul3A_133 : vector<16xf32>
          %sub3A = arith.constant 1.000000e+00 : f32
          %sub3A_135 = vector.broadcast %sub3A : f32 to vector<16xf32>
          %sub3A_136 = arith.subf %mul3A_134, %sub3A_135 : vector<16xf32>
          %mul3A_137 = arith.constant 5.000000e-01 : f32
          %mul3A_138 = vector.broadcast %mul3A_137 : f32 to vector<16xf32>
          %mul3A_139 = arith.mulf %sub3A_136, %mul3A_138 : vector<16xf32>
          %add3A_140 = arith.constant 1.000000e+00 : f32
          %add3A_141 = vector.broadcast %add3A_140 : f32 to vector<16xf32>
          %add3A_142 = arith.addf %get3A_128, %add3A_141 : vector<16xf32>
          %mul3A_143 = arith.constant 2.048000e+03 : f32
          %mul3A_144 = vector.broadcast %mul3A_143 : f32 to vector<16xf32>
          %mul3A_145 = arith.mulf %add3A_142, %mul3A_144 : vector<16xf32>
          %sub3A_146 = arith.constant 1.000000e+00 : f32
          %sub3A_147 = vector.broadcast %sub3A_146 : f32 to vector<16xf32>
          %sub3A_148 = arith.subf %mul3A_145, %sub3A_147 : vector<16xf32>
          %mul3A_149 = arith.constant 5.000000e-01 : f32
          %mul3A_150 = vector.broadcast %mul3A_149 : f32 to vector<16xf32>
          %mul3A_151 = arith.mulf %sub3A_148, %mul3A_150 : vector<16xf32>
          %max3A = arith.constant 0.000000e+00 : f32
          %max3A_152 = vector.broadcast %max3A : f32 to vector<16xf32>
          %max3A_153 = arith.maximumf %mul3A_139, %max3A_152 : vector<16xf32>
          %min3A = arith.constant 2.047000e+03 : f32
          %min3A_154 = vector.broadcast %min3A : f32 to vector<16xf32>
          %min3A_155 = arith.minimumf %max3A_153, %min3A_154 : vector<16xf32>
          %max3A_156 = arith.constant 0.000000e+00 : f32
          %max3A_157 = vector.broadcast %max3A_156 : f32 to vector<16xf32>
          %max3A_158 = arith.maximumf %mul3A_151, %max3A_157 : vector<16xf32>
          %min3A_159 = arith.constant 2.047000e+03 : f32
          %min3A_160 = vector.broadcast %min3A_159 : f32 to vector<16xf32>
          %min3A_161 = arith.minimumf %max3A_158, %min3A_160 : vector<16xf32>
          %convert_element_type3A_162 = arith.fptosi %min3A_155 : vector<16xf32> to vector<16xi32>
          %convert_element_type3A_163 = arith.fptosi %min3A_161 : vector<16xf32> to vector<16xi32>
          %convert_element_type3A_164 = arith.sitofp %convert_element_type3A_162 : vector<16xi32> to vector<16xf32>
          %sub3A_165 = arith.subf %min3A_155, %convert_element_type3A_164 : vector<16xf32>
          %swap3A = arith.index_cast %mul3A_125 : i32 to index
          %swap3A_166 = tpu.vector_load %arg16[%swap3A] {strides = array<i32>} : memref<2048xf32, #tpu.memory_space<vmem>>, vector<16xf32>,
          tpu.vector_store %arg16[%swap3A], %sub3A_165 {strides = array<i32>} : memref<2048xf32, #tpu.memory_space<vmem>>, vector<16xf32>,
          %convert_element_type3A_167 = arith.sitofp %convert_element_type3A_163 : vector<16xi32> to vector<16xf32>
          %sub3A_168 = arith.subf %min3A_161, %convert_element_type3A_167 : vector<16xf32>
          %swap3A_169 = arith.index_cast %mul3A_125 : i32 to index
          %swap3A_170 = tpu.vector_load %arg17[%swap3A_169] {strides = array<i32>} : memref<2048xf32, #tpu.memory_space<vmem>>, vector<16xf32>,
          tpu.vector_store %arg17[%swap3A_169], %sub3A_168 {strides = array<i32>} : memref<2048xf32, #tpu.memory_space<vmem>>, vector<16xf32>,
          %add3A_171 = arith.constant 1 : i32
          %add3A_172 = vector.broadcast %add3A_171 : i32 to vector<16xi32>
          %add3A_173 = arith.addi %convert_element_type3A_162, %add3A_172 : vector<16xi32>
          %min3A_174 = arith.constant 2047 : i32
          %min3A_175 = vector.broadcast %min3A_174 : i32 to vector<16xi32>
          %min3A_176 = arith.minsi %add3A_173, %min3A_175 : vector<16xi32>
          %add3A_177 = arith.constant 1 : i32
          %add3A_178 = vector.broadcast %add3A_177 : i32 to vector<16xi32>
          %add3A_179 = arith.addi %convert_element_type3A_163, %add3A_178 : vector<16xi32>
          %min3A_180 = arith.constant 2047 : i32
          %min3A_181 = vector.broadcast %min3A_180 : i32 to vector<16xi32>
          %min3A_182 = arith.minsi %add3A_179, %min3A_181 : vector<16xi32>
          %shift_left3A = arith.constant 11 : i32
          %shift_left3A_183 = vector.broadcast %shift_left3A : i32 to vector<16xi32>
          %shift_left3A_184 = arith.shli %convert_element_type3A_163, %shift_left3A_183 : vector<16xi32>
          %shift_left3A_185 = arith.constant 11 : i32
          %shift_left3A_186 = vector.broadcast %shift_left3A_185 : i32 to vector<16xi32>
          %shift_left3A_187 = arith.shli %min3A_182, %shift_left3A_186 : vector<16xi32>
          %add3A_188 = arith.addi %shift_left3A_184, %convert_element_type3A_162 : vector<16xi32>
          %swap3A_189 = arith.index_cast %mul3A_125 : i32 to index
          %swap3A_190 = tpu.vector_load %arg8[%swap3A_189] {strides = array<i32>} : memref<2048xi32, #tpu.memory_space<vmem>>, vector<16xi32>,
          tpu.vector_store %arg8[%swap3A_189], %add3A_188 {strides = array<i32>} : memref<2048xi32, #tpu.memory_space<vmem>>, vector<16xi32>,
          %add3A_191 = arith.addi %shift_left3A_184, %min3A_176 : vector<16xi32>
          %swap3A_192 = arith.index_cast %mul3A_125 : i32 to index
          %swap3A_193 = tpu.vector_load %arg9[%swap3A_192] {strides = array<i32>} : memref<2048xi32, #tpu.memory_space<vmem>>, vector<16xi32>,
          tpu.vector_store %arg9[%swap3A_192], %add3A_191 {strides = array<i32>} : memref<2048xi32, #tpu.memory_space<vmem>>, vector<16xi32>,
          %add3A_194 = arith.addi %shift_left3A_187, %convert_element_type3A_162 : vector<16xi32>
          %swap3A_195 = arith.index_cast %mul3A_125 : i32 to index
          %swap3A_196 = tpu.vector_load %arg10[%swap3A_195] {strides = array<i32>} : memref<2048xi32, #tpu.memory_space<vmem>>, vector<16xi32>,
          tpu.vector_store %arg10[%swap3A_195], %add3A_194 {strides = array<i32>} : memref<2048xi32, #tpu.memory_space<vmem>>, vector<16xi32>,
          %add3A_197 = arith.addi %shift_left3A_187, %min3A_176 : vector<16xi32>
          %swap3A_198 = arith.index_cast %mul3A_125 : i32 to index
          %swap3A_199 = tpu.vector_load %arg11[%swap3A_198] {strides = array<i32>} : memref<2048xi32, #tpu.memory_space<vmem>>, vector<16xi32>,
          tpu.vector_store %arg11[%swap3A_198], %add3A_197 {strides = array<i32>} : memref<2048xi32, #tpu.memory_space<vmem>>, vector<16xi32>,
          %scan3A_200 = arith.constant 1 : i32
          %scan3A_201 = arith.addi %scan3A_123, %scan3A_200 : i32
          %mul3A_202 = arith.constant 16 : i32
          %mul3A_203 = arith.muli %scan3A_201, %mul3A_202 : i32
          %get3A_204 = arith.index_cast %mul3A_203 : i32 to index
          %get3A_205 = tpu.vector_load %arg6[%get3A_204] {strides = array<i32>} : memref<2048xf32, #tpu.memory_space<vmem>>, vector<16xf32>,
          %get3A_206 = arith.index_cast %mul3A_203 : i32 to index
          %get3A_207 = tpu.vector_load %arg7[%get3A_206] {strides = array<i32>} : memref<2048xf32, #tpu.memory_space<vmem>>, vector<16xf32>,
          %add3A_208 = arith.constant 1.000000e+00 : f32
          %add3A_209 = vector.broadcast %add3A_208 : f32 to vector<16xf32>
          %add3A_210 = arith.addf %get3A_205, %add3A_209 : vector<16xf32>
          %mul3A_211 = arith.constant 2.048000e+03 : f32
          %mul3A_212 = vector.broadcast %mul3A_211 : f32 to vector<16xf32>
          %mul3A_213 = arith.mulf %add3A_210, %mul3A_212 : vector<16xf32>
          %sub3A_214 = arith.constant 1.000000e+00 : f32
          %sub3A_215 = vector.broadcast %sub3A_214 : f32 to vector<16xf32>
          %sub3A_216 = arith.subf %mul3A_213, %sub3A_215 : vector<16xf32>
          %mul3A_217 = arith.constant 5.000000e-01 : f32
          %mul3A_218 = vector.broadcast %mul3A_217 : f32 to vector<16xf32>
          %mul3A_219 = arith.mulf %sub3A_216, %mul3A_218 : vector<16xf32>
          %add3A_220 = arith.constant 1.000000e+00 : f32
          %add3A_221 = vector.broadcast %add3A_220 : f32 to vector<16xf32>
          %add3A_222 = arith.addf %get3A_207, %add3A_221 : vector<16xf32>
          %mul3A_223 = arith.constant 2.048000e+03 : f32
          %mul3A_224 = vector.broadcast %mul3A_223 : f32 to vector<16xf32>
          %mul3A_225 = arith.mulf %add3A_222, %mul3A_224 : vector<16xf32>
          %sub3A_226 = arith.constant 1.000000e+00 : f32
          %sub3A_227 = vector.broadcast %sub3A_226 : f32 to vector<16xf32>
          %sub3A_228 = arith.subf %mul3A_225, %sub3A_227 : vector<16xf32>
          %mul3A_229 = arith.constant 5.000000e-01 : f32
          %mul3A_230 = vector.broadcast %mul3A_229 : f32 to vector<16xf32>
          %mul3A_231 = arith.mulf %sub3A_228, %mul3A_230 : vector<16xf32>
          %max3A_232 = arith.constant 0.000000e+00 : f32
          %max3A_233 = vector.broadcast %max3A_232 : f32 to vector<16xf32>
          %max3A_234 = arith.maximumf %mul3A_219, %max3A_233 : vector<16xf32>
          %min3A_235 = arith.constant 2.047000e+03 : f32
          %min3A_236 = vector.broadcast %min3A_235 : f32 to vector<16xf32>
          %min3A_237 = arith.minimumf %max3A_234, %min3A_236 : vector<16xf32>
          %max3A_238 = arith.constant 0.000000e+00 : f32
          %max3A_239 = vector.broadcast %max3A_238 : f32 to vector<16xf32>
          %max3A_240 = arith.maximumf %mul3A_231, %max3A_239 : vector<16xf32>
          %min3A_241 = arith.constant 2.047000e+03 : f32
          %min3A_242 = vector.broadcast %min3A_241 : f32 to vector<16xf32>
          %min3A_243 = arith.minimumf %max3A_240, %min3A_242 : vector<16xf32>
          %convert_element_type3A_244 = arith.fptosi %min3A_237 : vector<16xf32> to vector<16xi32>
          %convert_element_type3A_245 = arith.fptosi %min3A_243 : vector<16xf32> to vector<16xi32>
          %convert_element_type3A_246 = arith.sitofp %convert_element_type3A_244 : vector<16xi32> to vector<16xf32>
          %sub3A_247 = arith.subf %min3A_237, %convert_element_type3A_246 : vector<16xf32>
          %swap3A_248 = arith.index_cast %mul3A_203 : i32 to index
          %swap3A_249 = tpu.vector_load %arg16[%swap3A_248] {strides = array<i32>} : memref<2048xf32, #tpu.memory_space<vmem>>, vector<16xf32>,
          tpu.vector_store %arg16[%swap3A_248], %sub3A_247 {strides = array<i32>} : memref<2048xf32, #tpu.memory_space<vmem>>, vector<16xf32>,
          %convert_element_type3A_250 = arith.sitofp %convert_element_type3A_245 : vector<16xi32> to vector<16xf32>
          %sub3A_251 = arith.subf %min3A_243, %convert_element_type3A_250 : vector<16xf32>
          %swap3A_252 = arith.index_cast %mul3A_203 : i32 to index
          %swap3A_253 = tpu.vector_load %arg17[%swap3A_252] {strides = array<i32>} : memref<2048xf32, #tpu.memory_space<vmem>>, vector<16xf32>,
          tpu.vector_store %arg17[%swap3A_252], %sub3A_251 {strides = array<i32>} : memref<2048xf32, #tpu.memory_space<vmem>>, vector<16xf32>,
          %add3A_254 = arith.constant 1 : i32
          %add3A_255 = vector.broadcast %add3A_254 : i32 to vector<16xi32>
          %add3A_256 = arith.addi %convert_element_type3A_244, %add3A_255 : vector<16xi32>
          %min3A_257 = arith.constant 2047 : i32
          %min3A_258 = vector.broadcast %min3A_257 : i32 to vector<16xi32>
          %min3A_259 = arith.minsi %add3A_256, %min3A_258 : vector<16xi32>
          %add3A_260 = arith.constant 1 : i32
          %add3A_261 = vector.broadcast %add3A_260 : i32 to vector<16xi32>
          %add3A_262 = arith.addi %convert_element_type3A_245, %add3A_261 : vector<16xi32>
          %min3A_263 = arith.constant 2047 : i32
          %min3A_264 = vector.broadcast %min3A_263 : i32 to vector<16xi32>
          %min3A_265 = arith.minsi %add3A_262, %min3A_264 : vector<16xi32>
          %shift_left3A_266 = arith.constant 11 : i32
          %shift_left3A_267 = vector.broadcast %shift_left3A_266 : i32 to vector<16xi32>
          %shift_left3A_268 = arith.shli %convert_element_type3A_245, %shift_left3A_267 : vector<16xi32>
          %shift_left3A_269 = arith.constant 11 : i32
          %shift_left3A_270 = vector.broadcast %shift_left3A_269 : i32 to vector<16xi32>
          %shift_left3A_271 = arith.shli %min3A_265, %shift_left3A_270 : vector<16xi32>
          %add3A_272 = arith.addi %shift_left3A_268, %convert_element_type3A_244 : vector<16xi32>
          %swap3A_273 = arith.index_cast %mul3A_203 : i32 to index
          %swap3A_274 = tpu.vector_load %arg8[%swap3A_273] {strides = array<i32>} : memref<2048xi32, #tpu.memory_space<vmem>>, vector<16xi32>,
          tpu.vector_store %arg8[%swap3A_273], %add3A_272 {strides = array<i32>} : memref<2048xi32, #tpu.memory_space<vmem>>, vector<16xi32>,
          %add3A_275 = arith.addi %shift_left3A_268, %min3A_259 : vector<16xi32>
          %swap3A_276 = arith.index_cast %mul3A_203 : i32 to index
          %swap3A_277 = tpu.vector_load %arg9[%swap3A_276] {strides = array<i32>} : memref<2048xi32, #tpu.memory_space<vmem>>, vector<16xi32>,
          tpu.vector_store %arg9[%swap3A_276], %add3A_275 {strides = array<i32>} : memref<2048xi32, #tpu.memory_space<vmem>>, vector<16xi32>,
          %add3A_278 = arith.addi %shift_left3A_271, %convert_element_type3A_244 : vector<16xi32>
          %swap3A_279 = arith.index_cast %mul3A_203 : i32 to index
          %swap3A_280 = tpu.vector_load %arg10[%swap3A_279] {strides = array<i32>} : memref<2048xi32, #tpu.memory_space<vmem>>, vector<16xi32>,
          tpu.vector_store %arg10[%swap3A_279], %add3A_278 {strides = array<i32>} : memref<2048xi32, #tpu.memory_space<vmem>>, vector<16xi32>,
          %add3A_281 = arith.addi %shift_left3A_271, %min3A_259 : vector<16xi32>
          %swap3A_282 = arith.index_cast %mul3A_203 : i32 to index
          %swap3A_283 = tpu.vector_load %arg11[%swap3A_282] {strides = array<i32>} : memref<2048xi32, #tpu.memory_space<vmem>>, vector<16xi32>,
          tpu.vector_store %arg11[%swap3A_282], %add3A_281 {strides = array<i32>} : memref<2048xi32, #tpu.memory_space<vmem>>, vector<16xi32>,
        }
        %scan3A_114 = arith.constant 128 : i32
        %dma_start3A_115 = arith.constant 0 : i32
        %dma_start3A_116 = tpu.memref_slice %arg4[%dma_start3A_115] : memref<4194304xf32, #tpu.memory_space<hbm>> -> memref<4194304xf32, #tpu.memory_space<hbm>>
        tpu.enqueue_indirect_dma source(%dma_start3A_116 : memref<4194304xf32, #tpu.memory_space<hbm>>) target(%arg12 : memref<2048xf32, #tpu.memory_space<vmem>>) offsets(%arg8 : memref<2048xi32, #tpu.memory_space<vmem>>) semaphore(%arg32 : memref<!tpu.dma_semaphore, #tpu.memory_space<semaphore_mem>>)
        %dma_start3A_117 = arith.constant 0 : i32
        %dma_start3A_118 = tpu.memref_slice %arg4[%dma_start3A_117] : memref<4194304xf32, #tpu.memory_space<hbm>> -> memref<4194304xf32, #tpu.memory_space<hbm>>
        tpu.enqueue_indirect_dma source(%dma_start3A_118 : memref<4194304xf32, #tpu.memory_space<hbm>>) target(%arg13 : memref<2048xf32, #tpu.memory_space<vmem>>) offsets(%arg9 : memref<2048xi32, #tpu.memory_space<vmem>>) semaphore(%arg32 : memref<!tpu.dma_semaphore, #tpu.memory_space<semaphore_mem>>)
        %dma_start3A_119 = arith.constant 0 : i32
        %dma_start3A_120 = tpu.memref_slice %arg4[%dma_start3A_119] : memref<4194304xf32, #tpu.memory_space<hbm>> -> memref<4194304xf32, #tpu.memory_space<hbm>>
        tpu.enqueue_indirect_dma source(%dma_start3A_120 : memref<4194304xf32, #tpu.memory_space<hbm>>) target(%arg14 : memref<2048xf32, #tpu.memory_space<vmem>>) offsets(%arg10 : memref<2048xi32, #tpu.memory_space<vmem>>) semaphore(%arg32 : memref<!tpu.dma_semaphore, #tpu.memory_space<semaphore_mem>>)
        %dma_start3A_121 = arith.constant 0 : i32
        %dma_start3A_122 = tpu.memref_slice %arg4[%dma_start3A_121] : memref<4194304xf32, #tpu.memory_space<hbm>> -> memref<4194304xf32, #tpu.memory_space<hbm>>
        tpu.enqueue_indirect_dma source(%dma_start3A_122 : memref<4194304xf32, #tpu.memory_space<hbm>>) target(%arg15 : memref<2048xf32, #tpu.memory_space<vmem>>) offsets(%arg11 : memref<2048xi32, #tpu.memory_space<vmem>>) semaphore(%arg32 : memref<!tpu.dma_semaphore, #tpu.memory_space<semaphore_mem>>)
      } else {
      }
      %dma_wait3A_76 = arith.constant 0 : i32
      %dma_wait3A_77 = tpu.memref_slice %arg4[%dma_wait3A_76] : memref<4194304xf32, #tpu.memory_space<hbm>> -> memref<4194304xf32, #tpu.memory_space<hbm>>
      tpu.wait_indirect_dma semaphore(%arg33 : memref<!tpu.dma_semaphore, #tpu.memory_space<semaphore_mem>>) src(%dma_wait3A_77 : memref<4194304xf32, #tpu.memory_space<hbm>>) dst(%arg25 : memref<2048xf32, #tpu.memory_space<vmem>>)
      %dma_wait3A_78 = arith.constant 0 : i32
      %dma_wait3A_79 = tpu.memref_slice %arg4[%dma_wait3A_78] : memref<4194304xf32, #tpu.memory_space<hbm>> -> memref<4194304xf32, #tpu.memory_space<hbm>>
      tpu.wait_indirect_dma semaphore(%arg33 : memref<!tpu.dma_semaphore, #tpu.memory_space<semaphore_mem>>) src(%dma_wait3A_79 : memref<4194304xf32, #tpu.memory_space<hbm>>) dst(%arg26 : memref<2048xf32, #tpu.memory_space<vmem>>)
      %dma_wait3A_80 = arith.constant 0 : i32
      %dma_wait3A_81 = tpu.memref_slice %arg4[%dma_wait3A_80] : memref<4194304xf32, #tpu.memory_space<hbm>> -> memref<4194304xf32, #tpu.memory_space<hbm>>
      tpu.wait_indirect_dma semaphore(%arg33 : memref<!tpu.dma_semaphore, #tpu.memory_space<semaphore_mem>>) src(%dma_wait3A_81 : memref<4194304xf32, #tpu.memory_space<hbm>>) dst(%arg27 : memref<2048xf32, #tpu.memory_space<vmem>>)
      %dma_wait3A_82 = arith.constant 0 : i32
      %dma_wait3A_83 = tpu.memref_slice %arg4[%dma_wait3A_82] : memref<4194304xf32, #tpu.memory_space<hbm>> -> memref<4194304xf32, #tpu.memory_space<hbm>>
      tpu.wait_indirect_dma semaphore(%arg33 : memref<!tpu.dma_semaphore, #tpu.memory_space<semaphore_mem>>) src(%dma_wait3A_83 : memref<4194304xf32, #tpu.memory_space<hbm>>) dst(%arg28 : memref<2048xf32, #tpu.memory_space<vmem>>)
      %add3A_84 = arith.constant 1 : i32
      %add3A_85 = arith.addi %mul3A_30, %add3A_84 : i32
      %eq3A_86 = arith.constant 0 : i32
      %eq3A_87 = arith.cmpi eq, %scan3A_28, %eq3A_86 : i32
      %mul3A_88 = arith.constant 2048 : i32
      %mul3A_89 = arith.muli %add3A_85, %mul3A_88 : i32
      %add3A_90 = arith.addi %mul3A_2, %mul3A_89 : i32
      %not3A_91 = arith.constant true
      %not3A_92 = arith.xori %eq3A_87, %not3A_91 : i1
      %convert_element_type3A_93 = arith.extui %not3A_92 : i1 to i32
      %cond3A_94 = arith.constant 0 : i32
      %cond3A_95 = arith.cmpi ne, %convert_element_type3A_93, %cond3A_94 : i32
      scf.if %cond3A_95 {
        %dma_wait3A_104 = tpu.memref_slice %arg5[%add3A_90] : memref<1048576xf32, #tpu.memory_space<hbm>> -> memref<2048xf32, #tpu.memory_space<hbm>>
        %dma_wait3A_105 = tpu.memref_slice %arg5[%add3A_90] : memref<1048576xf32, #tpu.memory_space<hbm>> -> memref<2048xf32, #tpu.memory_space<hbm>>
        tpu.wait_dma2 semaphore(%arg35 : memref<!tpu.dma_semaphore, #tpu.memory_space<semaphore_mem>>) src(%arg31 : memref<2048xf32, #tpu.memory_space<vmem>>) dst(%dma_wait3A_105 : memref<2048xf32, #tpu.memory_space<hbm>>)
      } else {
      }
      %scan3A_96 = arith.constant 0 : i32
      %scan3A_97 = arith.constant 0 : i32
      %scan3A_98 = arith.constant 128 : i32
      %scan3A_99 = arith.addi %scan3A_97, %scan3A_98 : i32
      %scan3A_100 = arith.constant 2 : i32
      scf.for %scan3A_104 = %scan3A_97 to %scan3A_99 step %scan3A_100  : i32 {
        %mul3A_105 = arith.constant 16 : i32
        %mul3A_106 = arith.muli %scan3A_104, %mul3A_105 : i32
        %get3A = arith.index_cast %mul3A_106 : i32 to index
        %get3A_107 = tpu.vector_load %arg29[%get3A] {strides = array<i32>} : memref<2048xf32, #tpu.memory_space<vmem>>, vector<16xf32>,
        %get3A_108 = arith.index_cast %mul3A_106 : i32 to index
        %get3A_109 = tpu.vector_load %arg30[%get3A_108] {strides = array<i32>} : memref<2048xf32, #tpu.memory_space<vmem>>, vector<16xf32>,
        %get3A_110 = arith.index_cast %mul3A_106 : i32 to index
        %get3A_111 = tpu.vector_load %arg25[%get3A_110] {strides = array<i32>} : memref<2048xf32, #tpu.memory_space<vmem>>, vector<16xf32>,
        %get3A_112 = arith.index_cast %mul3A_106 : i32 to index
        %get3A_113 = tpu.vector_load %arg26[%get3A_112] {strides = array<i32>} : memref<2048xf32, #tpu.memory_space<vmem>>, vector<16xf32>,
        %get3A_114 = arith.index_cast %mul3A_106 : i32 to index
        %get3A_115 = tpu.vector_load %arg27[%get3A_114] {strides = array<i32>} : memref<2048xf32, #tpu.memory_space<vmem>>, vector<16xf32>,
        %get3A_116 = arith.index_cast %mul3A_106 : i32 to index
        %get3A_117 = tpu.vector_load %arg28[%get3A_116] {strides = array<i32>} : memref<2048xf32, #tpu.memory_space<vmem>>, vector<16xf32>,
        %sub3A = arith.subf %get3A_113, %get3A_111 : vector<16xf32>
        %mul3A_118 = arith.mulf %sub3A, %get3A_107 : vector<16xf32>
        %add3A_119 = arith.addf %get3A_111, %mul3A_118 : vector<16xf32>
        %sub3A_120 = arith.subf %get3A_117, %get3A_115 : vector<16xf32>
        %mul3A_121 = arith.mulf %sub3A_120, %get3A_107 : vector<16xf32>
        %add3A_122 = arith.addf %get3A_115, %mul3A_121 : vector<16xf32>
        %sub3A_123 = arith.subf %add3A_122, %add3A_119 : vector<16xf32>
        %mul3A_124 = arith.mulf %sub3A_123, %get3A_109 : vector<16xf32>
        %add3A_125 = arith.addf %add3A_119, %mul3A_124 : vector<16xf32>
        %swap3A = arith.index_cast %mul3A_106 : i32 to index
        %swap3A_126 = tpu.vector_load %arg31[%swap3A] {strides = array<i32>} : memref<2048xf32, #tpu.memory_space<vmem>>, vector<16xf32>,
        tpu.vector_store %arg31[%swap3A], %add3A_125 {strides = array<i32>} : memref<2048xf32, #tpu.memory_space<vmem>>, vector<16xf32>,
        %scan3A_127 = arith.constant 1 : i32
        %scan3A_128 = arith.addi %scan3A_104, %scan3A_127 : i32
        %mul3A_129 = arith.constant 16 : i32
        %mul3A_130 = arith.muli %scan3A_128, %mul3A_129 : i32
        %get3A_131 = arith.index_cast %mul3A_130 : i32 to index
        %get3A_132 = tpu.vector_load %arg29[%get3A_131] {strides = array<i32>} : memref<2048xf32, #tpu.memory_space<vmem>>, vector<16xf32>,
        %get3A_133 = arith.index_cast %mul3A_130 : i32 to index
        %get3A_134 = tpu.vector_load %arg30[%get3A_133] {strides = array<i32>} : memref<2048xf32, #tpu.memory_space<vmem>>, vector<16xf32>,
        %get3A_135 = arith.index_cast %mul3A_130 : i32 to index
        %get3A_136 = tpu.vector_load %arg25[%get3A_135] {strides = array<i32>} : memref<2048xf32, #tpu.memory_space<vmem>>, vector<16xf32>,
        %get3A_137 = arith.index_cast %mul3A_130 : i32 to index
        %get3A_138 = tpu.vector_load %arg26[%get3A_137] {strides = array<i32>} : memref<2048xf32, #tpu.memory_space<vmem>>, vector<16xf32>,
        %get3A_139 = arith.index_cast %mul3A_130 : i32 to index
        %get3A_140 = tpu.vector_load %arg27[%get3A_139] {strides = array<i32>} : memref<2048xf32, #tpu.memory_space<vmem>>, vector<16xf32>,
        %get3A_141 = arith.index_cast %mul3A_130 : i32 to index
        %get3A_142 = tpu.vector_load %arg28[%get3A_141] {strides = array<i32>} : memref<2048xf32, #tpu.memory_space<vmem>>, vector<16xf32>,
        %sub3A_143 = arith.subf %get3A_138, %get3A_136 : vector<16xf32>
        %mul3A_144 = arith.mulf %sub3A_143, %get3A_132 : vector<16xf32>
        %add3A_145 = arith.addf %get3A_136, %mul3A_144 : vector<16xf32>
        %sub3A_146 = arith.subf %get3A_142, %get3A_140 : vector<16xf32>
        %mul3A_147 = arith.mulf %sub3A_146, %get3A_132 : vector<16xf32>
        %add3A_148 = arith.addf %get3A_140, %mul3A_147 : vector<16xf32>
        %sub3A_149 = arith.subf %add3A_148, %add3A_145 : vector<16xf32>
        %mul3A_150 = arith.mulf %sub3A_149, %get3A_134 : vector<16xf32>
        %add3A_151 = arith.addf %add3A_145, %mul3A_150 : vector<16xf32>
        %swap3A_152 = arith.index_cast %mul3A_130 : i32 to index
        %swap3A_153 = tpu.vector_load %arg31[%swap3A_152] {strides = array<i32>} : memref<2048xf32, #tpu.memory_space<vmem>>, vector<16xf32>,
        tpu.vector_store %arg31[%swap3A_152], %add3A_151 {strides = array<i32>} : memref<2048xf32, #tpu.memory_space<vmem>>, vector<16xf32>,
      }
      %scan3A_101 = arith.constant 128 : i32
      %dma_start3A_102 = tpu.memref_slice %arg5[%add3A_90] : memref<1048576xf32, #tpu.memory_space<hbm>> -> memref<2048xf32, #tpu.memory_space<hbm>>
      %dma_start3A_103 = tpu.memref_slice %arg5[%add3A_90] : memref<1048576xf32, #tpu.memory_space<hbm>> -> memref<2048xf32, #tpu.memory_space<hbm>>
      tpu.enqueue_dma source(%arg31 : memref<2048xf32, #tpu.memory_space<vmem>>) target(%dma_start3A_103 : memref<2048xf32, #tpu.memory_space<hbm>>) target_semaphore(%arg35 : memref<!tpu.dma_semaphore, #tpu.memory_space<semaphore_mem>>)
    }
    %scan3A_22 = arith.constant 8 : i32
    %add3A_23 = arith.constant 30720 : i32
    %add3A_24 = arith.addi %mul3A_2, %add3A_23 : i32
    %dma_wait3A = tpu.memref_slice %arg5[%add3A_24] : memref<1048576xf32, #tpu.memory_space<hbm>> -> memref<2048xf32, #tpu.memory_space<hbm>>
    %dma_wait3A_25 = tpu.memref_slice %arg5[%add3A_24] : memref<1048576xf32, #tpu.memory_space<hbm>> -> memref<2048xf32, #tpu.memory_space<hbm>>
    tpu.wait_dma2 semaphore(%arg34 : memref<!tpu.dma_semaphore, #tpu.memory_space<semaphore_mem>>) src(%arg18 : memref<2048xf32, #tpu.memory_space<vmem>>) dst(%dma_wait3A_25 : memref<2048xf32, #tpu.memory_space<hbm>>)
    %dma_wait3A_26 = tpu.memref_slice %arg5[%add3A_24] : memref<1048576xf32, #tpu.memory_space<hbm>> -> memref<2048xf32, #tpu.memory_space<hbm>>
    %dma_wait3A_27 = tpu.memref_slice %arg5[%add3A_24] : memref<1048576xf32, #tpu.memory_space<hbm>> -> memref<2048xf32, #tpu.memory_space<hbm>>
    tpu.wait_dma2 semaphore(%arg35 : memref<!tpu.dma_semaphore, #tpu.memory_space<semaphore_mem>>) src(%arg31 : memref<2048xf32, #tpu.memory_space<vmem>>) dst(%dma_wait3A_27 : memref<2048xf32, #tpu.memory_space<hbm>>)
    return
  }
}

</mosaic_0001>

<sc_bundles>
// kernel: kernel.3.cloned.1.call-start
scs
__scs_entry_jumppad:
0x0: {  	(pc) =	sbr.rel $0x88, $3  }
0x1: {  	(tag) =	ssettag $0x0;
	lr =	simm.s32 $0x1  }
0x2: {  	[smem:$0x3F9F] =	sst lr;
	_ =	strace $0xD0000000  }
0x3: {  	_ = 	snop  }
0x4: {  	_ = 	snop  }
0x5: {  	_ = 	snop  }
0x6: {  	_ = 	snop  }
0x7: {  	_ = 	snop  }
__scs_overlays_trampoline_lowered:
0x8: {  	[smem:$0x3FAE] =	sst s0  }
0x9: {  	[smem:$0x3FAF] =	sst s1  }
0xa: {  	[smem:$0x3FB0] =	sst s2  }
0xb: {  	[smem:$0x3FB1] =	sst s3  }
0xc: {  	[smem:$0x3FB2] =	sst s4  }
0xd: {  	[smem:$0x3FB3] =	sst s5  }
0xe: {  	[smem:$0x3FB4] =	sst s6  }
0xf: {  	[smem:$0x3FB5] =	sst s7  }
0x10: {  	[smem:$0x3FB6] =	sst s8  }
0x11: {  	[smem:$0x3FB7] =	sst s9;
	s0 =	simm.s32 @!p0 $0x0  }
0x12: {  	s1 =	sld [smem:$0x3F9D];
	s0 =	simm.s32 @p0 $0x1  }
0x13: {  	[smem:$0x3FB8] =	sst s0;
	s0 =	simm.s32 @!p1 $0x0  }
0x14: {  	s2 =	sld [smem:$0x3F9C];
	s0 =	simm.s32 @p1 $0x1  }
0x15: {  	[smem:$0x3FB9] =	sst s0;
	s0 =	simm.s32 @!p2 $0x0  }
0x16: {  	s3 =	sld [smem:$0x3FDB];
	s0 =	simm.s32 @p2 $0x1  }
0x17: {  	s4 =	simm.s32 $0x1BF5;
	[smem:$0x3FBB] =	sst s0  }
0x18: {  	s0 =	sld [smem:$0x3F9E];
	_ =	swait.ge [sflag:s4], $0x0  }
0x19: {  	s7 =	sld [smem:$0x3F9F]  }
0x1a: {  	s8 =	sadd.s32 $0xFFFFE003, lr  }
0x1b: {  	s9 =	sadd.s32 $0xFFFFFEF7, lr;
	s5 =	simm.s32 $0xFFFFFFFF;
	p2 =	slt.u32 s8, $0xFFFFF086  }
0x1c: {  	p1 =	slt.u32 s9, $0xF7A;
	s5 =	simm.s32 @!p2 $0x0  }
0x1d: {  	s5 =	simm.s32 @p1 $0x1;
	p0 =	seq.s32 s7, s2  }
0x1e: {  	s7 =	smul.u32 @!p0 $0xF7A, s2;
	p2 =	seq.s32 @!p0 s5, $0x0  }
0x1f: {  	s9 =	smul.u32 $0xF7A, s1;
	s8 =	simm.s32 @!p0 $0x1BF5;
	p2 =	por !p2, p0  }
0x20: {  	[sflag:s8] =	ssyncset.s32 @!p0 $0xFFFFF086;
	s6 =	sadd.s32 @!p0 s3, s7;
	s7 =	simm.s32 @!p0 $0x108  }
0x21: {  	s3 =	sadd.s32 s3, s9;
	s6 =	sadd.s32 @!p0 $0x88, s6;
	s7 =	simm.s32 @p2 $0x1082  }
0x22: {  	[simem:s7], [sflag:s8] =	dma.local @!p0 [hbm:s6], $0xF7A  }
0x23: {  	s9 =	sor.u32 $0xD0000000, s2;
	s6 =	simm.s32 $0x108;
	_ =	swait.ge @!p0 [sflag:s8], $0x0  }
0x24: {  	s3 =	sadd.s32 $0x88, s3;
	s6 =	simm.s32 @!p1 $0x1082;
	[sflag:s4] =	ssyncset.s32 $0xFFFFF086  }
0x25: {  	[simem:s6], [sflag:s4] =	dma.local [hbm:s3], $0xF7A  }
0x26: {  	[smem:$0x3F9F] =	sst s1;
	(tag) =	ssettag s2;
	_ =	strace s9  }
0x27: {  	s1 =	sld [smem:$0x3FAF]  }
0x28: {  	s2 =	sld [smem:$0x3FB0]  }
0x29: {  	s4 =	sld [smem:$0x3FB2]  }
0x2a: {  	p0 =	seq.s32 s5, $0x0;
	s5 =	sld [smem:$0x3FB3]  }
0x2b: {  	s6 =	sld [smem:$0x3FB4]  }
0x2c: {  	s7 =	sld [smem:$0x3FB5]  }
0x2d: {  	s3 =	simm.s32 $0x108;
	s8 =	sld [smem:$0x3FB6]  }
0x2e: {  	s3 =	simm.s32 @!p0 $0x1082;
	s9 =	sld [smem:$0x3FB7]  }
0x2f: {  	lr =	sadd.s32 s0, s3;
	s0 =	sld [smem:$0x3FAE]  }
0x30: {  	s3 =	sld [smem:$0x3FB1]  }
0x31: {  	[smem:$0x3FBA] =	sst s10  }
0x32: {  	s10 =	sld [smem:$0x3FB8];
	_ =	sdelay $0x3  }
0x33: {  	p0 =	seq.s32 s10, $0x1;
	s10 =	sld [smem:$0x3FBA];
	_ =	sdelay $0x3  }
0x34: {  	[smem:$0x3FBA] =	sst s10  }
0x35: {  	s10 =	sld [smem:$0x3FB9];
	_ =	sdelay $0x3  }
0x36: {  	p1 =	seq.s32 s10, $0x1;
	s10 =	sld [smem:$0x3FBA];
	_ =	sdelay $0x3  }
0x37: {  	[smem:$0x3FBA] =	sst s10  }
0x38: {  	s10 =	sld [smem:$0x3FBB]  }
0x39: {  	_ = 	snop;
	(pc) =	sbr.ind lr, $3  }
0x3a: {  	_ = 	snop  }
0x3b: {  	_ = 	snop  }
0x3c: {  	p2 =	seq.s32 s10, $0x1;
	s10 =	sld [smem:$0x3FBA]  }
0x3d: {  	_ =	shalt  }
0x3e: {  	_ =	shalt  }
0x3f: {  	_ =	shalt  }
0x40: {  	_ =	shalt  }
0x41: {  	_ =	shalt  }
0x42: {  	_ =	shalt  }
0x43: {  	_ =	shalt  }
0x44: {  	_ =	shalt  }
0x45: {  	_ =	shalt  }
0x46: {  	_ =	shalt  }
0x47: {  	_ =	shalt  }
0x48: {  	_ =	shalt  }
0x49: {  	_ =	shalt  }
0x4a: {  	_ =	shalt  }
0x4b: {  	_ =	shalt  }
0x4c: {  	_ =	shalt  }
0x4d: {  	_ =	shalt  }
0x4e: {  	_ =	shalt  }
0x4f: {  	_ =	shalt  }
0x50: {  	_ =	shalt  }
0x51: {  	_ =	shalt  }
0x52: {  	_ =	shalt  }
0x53: {  	_ =	shalt  }
0x54: {  	_ =	shalt  }
0x55: {  	_ =	shalt  }
0x56: {  	_ =	shalt  }
0x57: {  	_ =	shalt  }
0x58: {  	_ =	shalt  }
0x59: {  	_ =	shalt  }
0x5a: {  	_ =	shalt  }
0x5b: {  	_ =	shalt  }
0x5c: {  	_ =	shalt  }
0x5d: {  	_ =	shalt  }
0x5e: {  	_ =	shalt  }
0x5f: {  	_ =	shalt  }
0x60: {  	_ =	shalt  }
0x61: {  	_ =	shalt  }
0x62: {  	_ =	shalt  }
0x63: {  	_ =	shalt  }
0x64: {  	_ =	shalt  }
0x65: {  	_ =	shalt  }
0x66: {  	_ =	shalt  }
0x67: {  	_ =	shalt  }
0x68: {  	_ =	shalt  }
0x69: {  	_ =	shalt  }
0x6a: {  	_ =	shalt  }
0x6b: {  	_ =	shalt  }
0x6c: {  	_ =	shalt  }
0x6d: {  	_ =	shalt  }
0x6e: {  	_ =	shalt  }
0x6f: {  	_ =	shalt  }
0x70: {  	_ =	shalt  }
0x71: {  	_ =	shalt  }
0x72: {  	_ =	shalt  }
0x73: {  	_ =	shalt  }
0x74: {  	_ =	shalt  }
0x75: {  	_ =	shalt  }
0x76: {  	_ =	shalt  }
0x77: {  	_ =	shalt  }
0x78: {  	_ =	shalt  }
0x79: {  	_ =	shalt  }
0x7a: {  	_ =	shalt  }
0x7b: {  	_ =	shalt  }
0x7c: {  	_ =	shalt  }
0x7d: {  	_ =	shalt  }
0x7e: {  	_ =	shalt  }
0x7f: {  	_ =	shalt  }
0x80: {  	_ =	shalt  }
0x81: {  	_ =	shalt  }
0x82: {  	_ =	shalt  }
0x83: {  	_ =	shalt  }
0x84: {  	_ =	shalt  }
0x85: {  	_ =	shalt  }
0x86: {  	_ =	shalt  }
0x87: {  	_ =	shalt  }
.Lfunc_end0:
.L_simem_size_0:
called_computation_lowered:
.L_overlay_start_0:
0x88: {  	s2 =	sld [smem:$0x3FD9]  }
0x89: {  	s3 =	sld [smem:$0x3FFE];
	_ =	sdelay $0x1  }
0x8a: {  	s1 =	srdreg.scid  }
0x8b: {  	s0 =	sand.u32 $0x1, s1  }
0x8c: {  	s17 =	sshll.u32 s0, $0xA;
	s2 =	sadd.s32 s3, s2  }
0x8d: {  	s2 =	sadd.s32 s2, s17  }
0x8e: {  	[smem:$0x3FC6] =	sst s2  }
0x8f: {  	_ = 	snop  }
0x90: {  	s2 =	sld [smem:$0x3FD0];
	(tm) =	ssettm $0x1  }
0x91: {  	s18 =	sld [smem:$0x3FFB];
	_ =	sdelay $0x3  }
0x92: {  	_ =	strace s18  }
0x93: {  	s3 =	sld [smem:$0x3FFC];
	_ =	sdelay $0x3  }
0x94: {  	_ =	strace s3  }
0x95: {  	s3 =	sld [smem:$0x3FFD];
	_ =	sdelay $0x3  }
0x96: {  	_ =	strace s3  }
0x97: {  	_ =	strace $0x8FFFFFFF  }
0x98: {  	s19 =	sld [smem:$0x3FDB];
	_ =	sdelay $0x1  }
0x99: {  	s4 =	simm.s32 $_scs_section_size  }
0x9a: {  	s5 =	simm.s32 $_size__tile_overlayer_lowered;
	s6 =	simm.s32 $_tile_overlayer_lowered  }
0x9b: {  	s22 =	simm.s32 $0x1BFF;
	s21 =	sshll.u32 s6, $0x1;
	s3 =	sadd.s32 s4, s19  }
0x9c: {  	s7 =	simm.s32 $0x0;
	s20 =	sshll.u32 s5, $0x1;
	s5 =	sadd.s32 s21, s3  }
0x9d: {  	[timem:s7], [sflag:s22] =	dma.local [hbm:s5], s20  }
0x9e: {  	_ =	swait.ge [sflag:s22], s20  }
0x9f: {  	s4 =	ssub.s32 $0x0, s20;
	[sflag:s22] =	ssyncset.done $0x0  }
0xa0: {  	[sflag:s22] =	ssyncadd.s32 s4;
	_ =	sdelay $0x1  }
0xa1: {  	s23 =	simm.s32 $0x1B8B  }
0xa2: {  	_ =	swait.ge [sflag:s23], $0x1  }
0xa3: {  	[sflag:s23] =	ssyncset.done $0x0  }
0xa4: {  	s25 =	simm.s32 $0x1B8E;
	s24 =	sld [smem:$0x3FFE];
	[sflag:s23] =	ssyncadd.s32 $0xFFFFFFFF  }
0xa5: {  	s26 =	simm.s32 $execute0_lowered;
	[smem:$0x3FD2] =	sst s25  }
0xa6: {  	s5 =	sshll.u32 s26, $0x1;
	_ =	strace $0x80000046;
	[dreg:$0x1] =	wrdreg $0xFFFFFFFF  }
0xa7: {  	s28 =	simm.s32 $_size_execute0_lowered;
	s3 =	sadd.s32 s3, s5;
	[dreg:$0x0] =	wrdreg $0x0  }
0xa8: {  	s5 =	sshll.u32 s28, $0x1;
	[dreg:$0x2] =	wrdreg s3  }
0xa9: {  	[dreg:$0x3] =	wrdreg s5  }
0xaa: {  	[dreg:$0x4] =	wrdreg $0xC0  }
0xab: {  	_ =	task [dreg:s7], $0x5FFFF  }
0xac: {  	[dreg:$0x1] =	wrdreg $0xFFFFFFFF  }
0xad: {  	[dreg:$0x0] =	wrdreg $0x60  }
0xae: {  	[dreg:$0x2] =	wrdreg s24  }
0xaf: {  	[dreg:$0x3] =	wrdreg s2  }
0xb0: {  	[dreg:$0x4] =	wrdreg $0x9  }
0xb1: {  	_ =	task.clear_ibuf [dreg:s7], $0x5FFFF;
	_ =	strace $0x90000046  }
0xb2: {  	s29 =	simm.s32 $0x9;
	_ =	strace $0x80000048  }
0xb3: {  	_ =	swait.ge [sflag:s29], $0x1  }
0xb4: {  	[sflag:s29] =	ssyncadd.s32 $0xFFFFFFFF  }
0xb5: {  	_ =	strace $0x90000048  }
0xb6: {  	_ =	sfence  }
0xb7: {  	s30 =	sld [smem:$0x0];
	_ =	sdelay $0x2  }
0xb8: {  	s31 =	sshll.u32 s1, $0xD;
	s1 =	sshrl.u32 s1, $0x2  }
0xb9: {  	s3 =	sand.u32 $0x4000, s31;
	s1 =	sadd.s32 s1, s30  }
0xba: {  	s0 =	sor.u32 s3, s0;
	s1 =	sshll.u32 s1, $0x11  }
0xbb: {  	s0 =	sor.u32 s1, s0  }
0xbc: {  	s0 =	sadd.s32 $0x8F2B, s0  }
0xbd: {  	[sflag:s0] =	ssyncadd.remote.s32 $0x1  }
0xbe: {  	_ =	sfence.sel $0xFFFF  }
0xbf: {  	[dreg:$0x0] =	wrdreg $0xFFFFFFFF;
	(pc) =	sbr.abs _section_cstart, $3  }
0xc0: {  	[dreg:$0x1] =	wrdreg $0xFFFFFFFF  }
0xc1: {  	_ =	task.clear_ibuf [dreg:s7], $0x2FFFF;
	_ =	strace $0x9FFFFFFF  }
0xc2: {  	(tm) =	ssettm $0x7FFFFFFF  }
0xc3: {  	_ =	shalt  }
tec
execute0_lowered:
.L_overlay_start_1:
0x0: {  	(tag) =	ssettag $0x1  }
0x1: {  	s0 =	rddreg [dreg:$0x0]  }
0x2: {  	s1 =	rddreg [dreg:$0x1];
	s3 =	simm.s32 $0x0  }
0x3: {  	s2 =	srdreg.scid;
	s4 =	stileid.u32;
	s12 =	simm.s32 $0x5  }
0x4: {  	s13 =	simm.s32 $0x800;
	s28 =	simm.s32 $0xA000;
	s29 =	simm.s32 $0x8800  }
0x5: {  	s30 =	simm.s32 $0xA800;
	s31 =	simm.s32 $0x9000;
	s11 =	simm.s32 $0xC800  }
0x6: {  	s15 =	simm.s32 $0x0;
	[smem:$0x7FF] =	sst s3;
	s2 =	sand.u32 $0x1, s2  }
0x7: {  	s5 =	sshll.u32 s4, $0x10;
	s4 =	sadd.s32 $0x800, s0;
	s7 =	sadd.s32 $0xA0800, s0  }
0x8: {  	_ =	strace $0x80000047;
	s6 =	sshll.u32 s2, $0xF;
	s2 =	ssub.s32 $0x2, s2  }
0x9: {  	s5 =	sor.u32 s6, s5;
	s6 =	sadd.s32 $0x20800, s0;
	s8 =	sshrl.u32 s2, $0x1  }
0xa: {  	s9 =	sshrl.u32 s5, $0x3;
	s23 =	ssub.s32 s2, s8;
	s26 =	sor.u32 $0x1000, s5  }
0xb: {  	s2 =	simm.s32 $0x1;
	s24 =	sadd.s32 s4, s9;
	[dreg:$0x5] =	wrdreg s26  }
0xc: {  	s8 =	simm.s32 $0x6000;
	s25 =	sadd.s32 s1, s9;
	[dreg:$0x3] =	wrdreg s24  }
0xd: {  	s0 =	smax.u32 s23, $0x1;
	s26 =	simm.s32 $0x8000;
	[dreg:$0x4] =	wrdreg s25  }
0xe: {  	s9 =	simm.s32 $0x2;
	[dreg:$0x6] =	wrdreg s0;
	s0 =	simm.s32 $0xB000  }
.LBB2_1:
0xf: {  	[dreg:$0x7] =	wrdreg s15  }
0x10: {  	s10 =	rddreg [dreg:$0x3]  }
0x11: {  	[tilespmem:s3], [sflag:$0x5] =	stream.linear.gather [hbm4b:s10+s3], $0x800, $0x38;
	[tilespmem:$0xD000] =	vst v63  }
0x12: {  	_ =	swait.ge [sflag:s12], $0x800  }
0x13: {  	[sflag:s12] =	ssyncset.done $0x0  }
0x14: {  	s24 =	rddreg [dreg:$0x4];
	[sflag:s12] =	ssyncadd.s32 $0xFFFFF800  }
0x15: {  	[tilespmem:s13], [sflag:$0x5] =	stream.linear.gather [hbm4b:s24+s3], $0x800, $0x38;
	[tilespmem:$0xD000] =	vst v63  }
0x16: {  	_ =	swait.ge [sflag:s12], $0x800  }
0x17: {  	[sflag:s12] =	ssyncset.done $0x0  }
0x18: {  	s25 =	simm.s32 $0x10;
	[sflag:s12] =	ssyncadd.s32 $0xFFFFF800  }
0x19: {  	s16 =	simm.s32 $0x810;
	v0 =	vld [tilespmem:s25+$0xFFFFFFF0]  }
0x1a: {  	v1 =	vld [tilespmem:s16+$0xFFFFFFF0];
	_ =	sdelay $0x3  }
0x1b: {  	v0 =	vadd.f32 $1.000000000e+00, v0  }
0x1c: {  	v1 =	vadd.f32 $1.000000000e+00, v1  }
0x1d: {  	v0 =	vmul.f32 $2.048000000e+03, v0  }
0x1e: {  	v1 =	vmul.f32 $2.048000000e+03, v1  }
0x1f: {  	v0 =	vadd.f32 $-1.000000000e+00, v0  }
0x20: {  	v1 =	vadd.f32 $-1.000000000e+00, v1  }
0x21: {  	v0 =	vmul.f32 $5.000000000e-01, v0  }
0x22: {  	v1 =	vmul.f32 $5.000000000e-01, v1  }
0x23: {  	v0 =	vmax.f32 v0, $0.0e+00  }
0x24: {  	v1 =	vmax.f32 v1, $0.0e+00;
	v0 =	vmin.f32 v0, $2.047000000e+03  }
0x25: {  	v1 =	vmin.f32 v1, $2.047000000e+03;
	v2 =	vtrunc.f32 v0  }
0x26: {  	v3 =	vtrunc.f32 v1;
	v2 =	vcvt.f32.s32 v2  }
0x27: {  	v3 =	vcvt.f32.s32 v3  }
0x28: {  	v4 =	vcvt.s32.f32 v2  }
0x29: {  	v5 =	vcvt.s32.f32 v3  }
0x2a: {  	v0 =	vsub.f32 v0, v4  }
0x2b: {  	s17 =	simm.s32 $0x5010;
	v55 =	vadd.s32 $0x1, v2;
	v6 =	vadd.s32 $0x1, v3;
	v1 =	vsub.f32 v1, v5  }
0x2c: {  	s18 =	simm.s32 $0x5810;
	v3 =	vshll.u32 v3, $0xB;
	vm0 =	vlt.s32 v55, $0x7FF;
	vm1 =	vlt.s32 v6, $0x7FF;
	[tilespmem:s17+$0xFFFFFFF0] =	vst v0  }
0x2d: {  	s19 =	simm.s32 $0x1010;
	v57 =	vadd.s32 v2, v3;
	v56 =	vnsel vm1, $0x7FF, v6;
	v0 =	vnsel vm0, $0x7FF, v55;
	[tilespmem:s18+$0xFFFFFFF0] =	vst v1  }
0x2e: {  	s20 =	simm.s32 $0x1810;
	v1 =	vshll.u32 v56, $0xB;
	v3 =	vadd.s32 v0, v3;
	[tilespmem:s19+$0xFFFFFFF0] =	vst v57  }
0x2f: {  	s14 =	simm.s32 $0x2010;
	v2 =	vadd.s32 v2, v1;
	[tilespmem:s20+$0xFFFFFFF0] =	vst v3  }
0x30: {  	s15 =	simm.s32 $0x2810;
	v0 =	vadd.s32 v0, v1;
	[tilespmem:s14+$0xFFFFFFF0] =	vst v2  }
0x31: {  	[tilespmem:s15+$0xFFFFFFF0] =	vst v0  }
0x32: {  	v0 =	vld [tilespmem:s25+$0x0]  }
0x33: {  	v1 =	vld [tilespmem:s16+$0x0];
	_ =	sdelay $0x3  }
0x34: {  	v0 =	vadd.f32 $1.000000000e+00, v0  }
0x35: {  	v1 =	vadd.f32 $1.000000000e+00, v1  }
0x36: {  	v0 =	vmul.f32 $2.048000000e+03, v0  }
0x37: {  	v1 =	vmul.f32 $2.048000000e+03, v1  }
0x38: {  	v0 =	vadd.f32 $-1.000000000e+00, v0  }
0x39: {  	v1 =	vadd.f32 $-1.000000000e+00, v1  }
0x3a: {  	v0 =	vmul.f32 $5.000000000e-01, v0  }
0x3b: {  	v1 =	vmul.f32 $5.000000000e-01, v1  }
0x3c: {  	v0 =	vmax.f32 v0, $0.0e+00  }
0x3d: {  	v1 =	vmax.f32 v1, $0.0e+00;
	v0 =	vmin.f32 v0, $2.047000000e+03  }
0x3e: {  	v1 =	vmin.f32 v1, $2.047000000e+03;
	v2 =	vtrunc.f32 v0  }
0x3f: {  	v3 =	vtrunc.f32 v1;
	v2 =	vcvt.f32.s32 v2  }
0x40: {  	v3 =	vcvt.f32.s32 v3  }
0x41: {  	v58 =	vcvt.s32.f32 v2  }
0x42: {  	v59 =	vcvt.s32.f32 v3  }
0x43: {  	v0 =	vsub.f32 v0, v58  }
0x44: {  	v60 =	vadd.s32 $0x1, v2;
	v61 =	vadd.s32 $0x1, v3;
	v1 =	vsub.f32 v1, v59  }
0x45: {  	v3 =	vshll.u32 v3, $0xB;
	vm14 =	vlt.s32 v60, $0x7FF;
	vm15 =	vlt.s32 v61, $0x7FF;
	[tilespmem:s17+$0x0] =	vst v0  }
0x46: {  	v63 =	vadd.s32 v2, v3;
	v62 =	vnsel vm15, $0x7FF, v61;
	v0 =	vnsel vm14, $0x7FF, v60;
	[tilespmem:s18+$0x0] =	vst v1  }
0x47: {  	s21 =	simm.s32 $0x5830;
	v1 =	vshll.u32 v62, $0xB;
	v3 =	vadd.s32 v0, v3;
	[tilespmem:s19+$0x0] =	vst v63  }
0x48: {  	s10 =	simm.s32 $0x30;
	s16 =	simm.s32 $0x0;
	s17 =	simm.s32 $0x5030;
	v2 =	vadd.s32 v2, v1;
	[tilespmem:s20+$0x0] =	vst v3  }
0x49: {  	s18 =	simm.s32 $0x830;
	v0 =	vadd.s32 v0, v1;
	s19 =	simm.s32 $0x1830;
	s20 =	simm.s32 $0x1030;
	[tilespmem:s14+$0x0] =	vst v2  }
.LBB2_2:
0x4a: {  	s16 =	sadd.s32 $0x2, s16;
	[tilespmem:s15+$0x0] =	vst v0;
	s15 =	sadd.s32 $0x20, s15;
	s14 =	sadd.s32 $0x20, s14  }
0x4b: {  	v0 =	vld [tilespmem:s10+$0xFFFFFFF0];
	p0 =	slt.u32 s16, $0x7E  }
0x4c: {  	v1 =	vld [tilespmem:s18+$0xFFFFFFF0];
	_ =	sdelay $0x3  }
0x4d: {  	v0 =	vadd.f32 $1.000000000e+00, v0  }
0x4e: {  	v1 =	vadd.f32 $1.000000000e+00, v1  }
0x4f: {  	v0 =	vmul.f32 $2.048000000e+03, v0  }
0x50: {  	v1 =	vmul.f32 $2.048000000e+03, v1  }
0x51: {  	v0 =	vadd.f32 $-1.000000000e+00, v0  }
0x52: {  	v1 =	vadd.f32 $-1.000000000e+00, v1  }
0x53: {  	v0 =	vmul.f32 $5.000000000e-01, v0  }
0x54: {  	v1 =	vmul.f32 $5.000000000e-01, v1  }
0x55: {  	v0 =	vmax.f32 v0, $0.0e+00  }
0x56: {  	v0 =	vmin.f32 v0, $2.047000000e+03;
	v1 =	vmax.f32 v1, $0.0e+00  }
0x57: {  	v1 =	vmin.f32 v1, $2.047000000e+03;
	v2 =	vtrunc.f32 v0  }
0x58: {  	v2 =	vcvt.f32.s32 v2;
	v3 =	vtrunc.f32 v1  }
0x59: {  	v3 =	vcvt.f32.s32 v3  }
0x5a: {  	v4 =	vcvt.s32.f32 v2;
	v5 =	vadd.s32 $0x1, v2  }
0x5b: {  	v6 =	vcvt.s32.f32 v3;
	vm0 =	vlt.s32 v5, $0x7FF;
	v7 =	vadd.s32 $0x1, v3  }
0x5c: {  	v3 =	vshll.u32 v3, $0xB;
	v0 =	vsub.f32 v0, v4;
	vm1 =	vlt.s32 v7, $0x7FF  }
0x5d: {  	v4 =	vnsel vm0, $0x7FF, v5;
	v1 =	vsub.f32 v1, v6;
	v5 =	vnsel vm1, $0x7FF, v7  }
0x5e: {  	[tilespmem:s17+$0xFFFFFFF0] =	vst v0;
	v0 =	vshll.u32 v5, $0xB;
	v5 =	vadd.s32 v2, v3;
	v3 =	vadd.s32 v4, v3  }
0x5f: {  	[tilespmem:s21+$0xFFFFFFF0] =	vst v1;
	v1 =	vadd.s32 v2, v0;
	v0 =	vadd.s32 v4, v0  }
0x60: {  	[tilespmem:s20+$0xFFFFFFF0] =	vst v5  }
0x61: {  	[tilespmem:s19+$0xFFFFFFF0] =	vst v3  }
0x62: {  	[tilespmem:s14+$0xFFFFFFF0] =	vst v1  }
0x63: {  	[tilespmem:s15+$0xFFFFFFF0] =	vst v0  }
0x64: {  	v0 =	vld [tilespmem:s10+$0x0]  }
0x65: {  	v1 =	vld [tilespmem:s18+$0x0];
	_ =	sdelay $0x3  }
0x66: {  	v0 =	vadd.f32 $1.000000000e+00, v0  }
0x67: {  	v1 =	vadd.f32 $1.000000000e+00, v1  }
0x68: {  	v0 =	vmul.f32 $2.048000000e+03, v0  }
0x69: {  	v1 =	vmul.f32 $2.048000000e+03, v1  }
0x6a: {  	v0 =	vadd.f32 $-1.000000000e+00, v0  }
0x6b: {  	v1 =	vadd.f32 $-1.000000000e+00, v1  }
0x6c: {  	v0 =	vmul.f32 $5.000000000e-01, v0  }
0x6d: {  	v1 =	vmul.f32 $5.000000000e-01, v1  }
0x6e: {  	v0 =	vmax.f32 v0, $0.0e+00  }
0x6f: {  	v0 =	vmin.f32 v0, $2.047000000e+03;
	v1 =	vmax.f32 v1, $0.0e+00  }
0x70: {  	v1 =	vmin.f32 v1, $2.047000000e+03;
	v2 =	vtrunc.f32 v0  }
0x71: {  	v2 =	vcvt.f32.s32 v2;
	v3 =	vtrunc.f32 v1  }
0x72: {  	v3 =	vcvt.f32.s32 v3  }
0x73: {  	v4 =	vcvt.s32.f32 v2;
	v5 =	vadd.s32 $0x1, v2  }
0x74: {  	v6 =	vcvt.s32.f32 v3;
	vm0 =	vlt.s32 v5, $0x7FF;
	v7 =	vadd.s32 $0x1, v3  }
0x75: {  	v3 =	vshll.u32 v3, $0xB;
	v0 =	vsub.f32 v0, v4;
	vm1 =	vlt.s32 v7, $0x7FF  }
0x76: {  	v4 =	vnsel vm0, $0x7FF, v5;
	v1 =	vsub.f32 v1, v6;
	v5 =	vnsel vm1, $0x7FF, v7  }
.Ltmp0:
0x77: {  	[tilespmem:s17+$0x0] =	vst v0;
	v0 =	vshll.u32 v5, $0xB;
	v5 =	vadd.s32 v2, v3;
	v3 =	vadd.s32 v4, v3;
	(pc) =	sbr.rel @p0 .LBB2_2-.Ltmp0, $4  }
0x78: {  	[tilespmem:s21+$0x0] =	vst v1;
	v1 =	vadd.s32 v2, v0;
	v0 =	vadd.s32 v4, v0  }
0x79: {  	[tilespmem:s20+$0x0] =	vst v5  }
0x7a: {  	s10 =	sadd.s32 $0x20, s10;
	s18 =	sadd.s32 $0x20, s18;
	s17 =	sadd.s32 $0x20, s17;
	[tilespmem:s19+$0x0] =	vst v3  }
0x7b: {  	s21 =	sadd.s32 $0x20, s21;
	s20 =	sadd.s32 $0x20, s20;
	s19 =	sadd.s32 $0x20, s19;
	[tilespmem:s14+$0x0] =	vst v1  }
0x7c: {  	[tilespmem:s15+$0x0] =	vst v0;
	s10 =	simm.s32 $0x1000;
	s14 =	simm.s32 $0x3000  }
0x7d: {  	[tilespmem:s14], [sflag:$0x1] =	stream.indirect.gather [hbm4b:s6+s13], $0x1, s10, s13, $0xb8;
	[tilespmem:$0xD000] =	vst v63  }
0x7e: {  	s20 =	simm.s32 $0x1800;
	s21 =	simm.s32 $0x3800  }
0x7f: {  	[tilespmem:s21], [sflag:$0x1] =	stream.indirect.gather [hbm4b:s6+s13], $0x1, s20, s13, $0xb8;
	[tilespmem:$0xD000] =	vst v63  }
0x80: {  	s22 =	simm.s32 $0x2000;
	s23 =	simm.s32 $0x4000  }
0x81: {  	[tilespmem:s23], [sflag:$0x1] =	stream.indirect.gather [hbm4b:s6+s13], $0x1, s22, s13, $0xb8;
	[tilespmem:$0xD000] =	vst v63  }
0x82: {  	s24 =	simm.s32 $0x2800;
	s25 =	simm.s32 $0x4800;
	s14 =	simm.s32 $0x0  }
0x83: {  	[tilespmem:s25], [sflag:$0x1] =	stream.indirect.gather [hbm4b:s6+s13], $0x1, s24, s13, $0xb8;
	[tilespmem:$0xD000] =	vst v63  }
.LBB2_4:
0x84: {  	s16 =	sshll.u32 s14, $0xC  }
0x85: {  	s10 =	sor.u32 s16, s5  }
0x86: {  	s17 =	sshrl.u32 s10, $0x3  }
0x87: {  	s15 =	sor.u32 $0x100, s17  }
0x88: {  	s18 =	simm.s32 $0x6800;
	s22 =	sadd.s32 s4, s15  }
0x89: {  	[tilespmem:s18], [sflag:$0x5] =	stream.linear.gather [hbm4b:s22+s3], $0x800, $0x38;
	[tilespmem:$0xD000] =	vst v63  }
0x8a: {  	_ =	swait.ge [sflag:s12], $0x800  }
0x8b: {  	[sflag:s12] =	ssyncset.done $0x0  }
0x8c: {  	s24 =	simm.s32 $0x7000;
	s23 =	sadd.s32 s1, s15;
	[sflag:s12] =	ssyncadd.s32 $0xFFFFF800  }
0x8d: {  	[tilespmem:s24], [sflag:$0x5] =	stream.linear.gather [hbm4b:s23+s3], $0x800, $0x38;
	[tilespmem:$0xD000] =	vst v63  }
0x8e: {  	_ =	swait.ge [sflag:s12], $0x800  }
0x8f: {  	[sflag:s12] =	ssyncset.done $0x0  }
0x90: {  	s25 =	simm.s32 $0x6810;
	[sflag:s12] =	ssyncadd.s32 $0xFFFFF800  }
0x91: {  	s20 =	simm.s32 $0x7010;
	v0 =	vld [tilespmem:s25+$0xFFFFFFF0]  }
0x92: {  	v1 =	vld [tilespmem:s20+$0xFFFFFFF0];
	_ =	sdelay $0x3  }
0x93: {  	v0 =	vadd.f32 $1.000000000e+00, v0  }
0x94: {  	v1 =	vadd.f32 $1.000000000e+00, v1  }
0x95: {  	v0 =	vmul.f32 $2.048000000e+03, v0  }
0x96: {  	v1 =	vmul.f32 $2.048000000e+03, v1  }
0x97: {  	v0 =	vadd.f32 $-1.000000000e+00, v0  }
0x98: {  	v1 =	vadd.f32 $-1.000000000e+00, v1  }
0x99: {  	v0 =	vmul.f32 $5.000000000e-01, v0  }
0x9a: {  	v1 =	vmul.f32 $5.000000000e-01, v1  }
0x9b: {  	v0 =	vmax.f32 v0, $0.0e+00  }
0x9c: {  	v1 =	vmax.f32 v1, $0.0e+00;
	v0 =	vmin.f32 v0, $2.047000000e+03  }
0x9d: {  	v1 =	vmin.f32 v1, $2.047000000e+03;
	v2 =	vtrunc.f32 v0  }
0x9e: {  	v3 =	vtrunc.f32 v1;
	v2 =	vcvt.f32.s32 v2  }
0x9f: {  	v3 =	vcvt.f32.s32 v3  }
0xa0: {  	v4 =	vcvt.s32.f32 v2  }
0xa1: {  	v5 =	vcvt.s32.f32 v3  }
0xa2: {  	v0 =	vsub.f32 v0, v4  }
0xa3: {  	s21 =	simm.s32 $0xB810;
	v55 =	vadd.s32 $0x1, v2;
	v6 =	vadd.s32 $0x1, v3;
	v1 =	vsub.f32 v1, v5  }
0xa4: {  	s22 =	simm.s32 $0xC010;
	v3 =	vshll.u32 v3, $0xB;
	vm0 =	vlt.s32 v55, $0x7FF;
	vm1 =	vlt.s32 v6, $0x7FF;
	[tilespmem:s21+$0xFFFFFFF0] =	vst v0  }
0xa5: {  	s23 =	simm.s32 $0x7810;
	v57 =	vadd.s32 v2, v3;
	v56 =	vnsel vm1, $0x7FF, v6;
	v0 =	vnsel vm0, $0x7FF, v55;
	[tilespmem:s22+$0xFFFFFFF0] =	vst v1  }
0xa6: {  	s24 =	simm.s32 $0x8010;
	v1 =	vshll.u32 v56, $0xB;
	v3 =	vadd.s32 v0, v3;
	[tilespmem:s23+$0xFFFFFFF0] =	vst v57  }
0xa7: {  	s18 =	simm.s32 $0x8810;
	v2 =	vadd.s32 v2, v1;
	[tilespmem:s24+$0xFFFFFFF0] =	vst v3  }
0xa8: {  	s19 =	simm.s32 $0x9010;
	v0 =	vadd.s32 v0, v1;
	[tilespmem:s18+$0xFFFFFFF0] =	vst v2  }
0xa9: {  	[tilespmem:s19+$0xFFFFFFF0] =	vst v0  }
0xaa: {  	v0 =	vld [tilespmem:s25+$0x0]  }
0xab: {  	v1 =	vld [tilespmem:s20+$0x0];
	_ =	sdelay $0x3  }
0xac: {  	v0 =	vadd.f32 $1.000000000e+00, v0  }
0xad: {  	v1 =	vadd.f32 $1.000000000e+00, v1  }
0xae: {  	v0 =	vmul.f32 $2.048000000e+03, v0  }
0xaf: {  	v1 =	vmul.f32 $2.048000000e+03, v1  }
0xb0: {  	v0 =	vadd.f32 $-1.000000000e+00, v0  }
0xb1: {  	v1 =	vadd.f32 $-1.000000000e+00, v1  }
0xb2: {  	v0 =	vmul.f32 $5.000000000e-01, v0  }
0xb3: {  	v1 =	vmul.f32 $5.000000000e-01, v1  }
0xb4: {  	v0 =	vmax.f32 v0, $0.0e+00  }
0xb5: {  	v1 =	vmax.f32 v1, $0.0e+00;
	v0 =	vmin.f32 v0, $2.047000000e+03  }
0xb6: {  	v1 =	vmin.f32 v1, $2.047000000e+03;
	v2 =	vtrunc.f32 v0  }
0xb7: {  	v3 =	vtrunc.f32 v1;
	v2 =	vcvt.f32.s32 v2  }
0xb8: {  	v3 =	vcvt.f32.s32 v3  }
0xb9: {  	v58 =	vcvt.s32.f32 v2  }
0xba: {  	v59 =	vcvt.s32.f32 v3  }
0xbb: {  	v0 =	vsub.f32 v0, v58  }
0xbc: {  	v60 =	vadd.s32 $0x1, v2;
	v61 =	vadd.s32 $0x1, v3;
	v1 =	vsub.f32 v1, v59  }
0xbd: {  	v3 =	vshll.u32 v3, $0xB;
	vm14 =	vlt.s32 v60, $0x7FF;
	vm15 =	vlt.s32 v61, $0x7FF;
	[tilespmem:s21+$0x0] =	vst v0  }
0xbe: {  	v63 =	vadd.s32 v2, v3;
	v62 =	vnsel vm15, $0x7FF, v61;
	v0 =	vnsel vm14, $0x7FF, v60;
	[tilespmem:s22+$0x0] =	vst v1  }
0xbf: {  	s10 =	simm.s32 $0x7030;
	v1 =	vshll.u32 v62, $0xB;
	v3 =	vadd.s32 v0, v3;
	[tilespmem:s23+$0x0] =	vst v63  }
0xc0: {  	s20 =	simm.s32 $0x0;
	s25 =	simm.s32 $0xC030;
	s21 =	simm.s32 $0xB830;
	v2 =	vadd.s32 v2, v1;
	[tilespmem:s24+$0x0] =	vst v3  }
0xc1: {  	s22 =	simm.s32 $0x6830;
	v0 =	vadd.s32 v0, v1;
	s23 =	simm.s32 $0x8030;
	s24 =	simm.s32 $0x7830;
	[tilespmem:s18+$0x0] =	vst v2  }
.LBB2_5:
0xc2: {  	s20 =	sadd.s32 $0x2, s20;
	[tilespmem:s19+$0x0] =	vst v0;
	s19 =	sadd.s32 $0x20, s19;
	s18 =	sadd.s32 $0x20, s18  }
0xc3: {  	v0 =	vld [tilespmem:s22+$0xFFFFFFF0];
	p0 =	slt.u32 s20, $0x7E  }
0xc4: {  	v1 =	vld [tilespmem:s10+$0xFFFFFFF0];
	_ =	sdelay $0x3  }
0xc5: {  	v0 =	vadd.f32 $1.000000000e+00, v0  }
0xc6: {  	v1 =	vadd.f32 $1.000000000e+00, v1  }
0xc7: {  	v0 =	vmul.f32 $2.048000000e+03, v0  }
0xc8: {  	v1 =	vmul.f32 $2.048000000e+03, v1  }
0xc9: {  	v0 =	vadd.f32 $-1.000000000e+00, v0  }
0xca: {  	v1 =	vadd.f32 $-1.000000000e+00, v1  }
0xcb: {  	v0 =	vmul.f32 $5.000000000e-01, v0  }
0xcc: {  	v1 =	vmul.f32 $5.000000000e-01, v1  }
0xcd: {  	v0 =	vmax.f32 v0, $0.0e+00  }
0xce: {  	v0 =	vmin.f32 v0, $2.047000000e+03;
	v1 =	vmax.f32 v1, $0.0e+00  }
0xcf: {  	v1 =	vmin.f32 v1, $2.047000000e+03;
	v2 =	vtrunc.f32 v0  }
0xd0: {  	v2 =	vcvt.f32.s32 v2;
	v3 =	vtrunc.f32 v1  }
0xd1: {  	v3 =	vcvt.f32.s32 v3  }
0xd2: {  	v4 =	vcvt.s32.f32 v2;
	v5 =	vadd.s32 $0x1, v2  }
0xd3: {  	v6 =	vcvt.s32.f32 v3;
	vm0 =	vlt.s32 v5, $0x7FF;
	v7 =	vadd.s32 $0x1, v3  }
0xd4: {  	v3 =	vshll.u32 v3, $0xB;
	v0 =	vsub.f32 v0, v4;
	vm1 =	vlt.s32 v7, $0x7FF  }
0xd5: {  	v4 =	vnsel vm0, $0x7FF, v5;
	v1 =	vsub.f32 v1, v6;
	v5 =	vnsel vm1, $0x7FF, v7  }
0xd6: {  	[tilespmem:s21+$0xFFFFFFF0] =	vst v0;
	v0 =	vshll.u32 v5, $0xB;
	v5 =	vadd.s32 v2, v3;
	v3 =	vadd.s32 v4, v3  }
0xd7: {  	[tilespmem:s25+$0xFFFFFFF0] =	vst v1;
	v1 =	vadd.s32 v2, v0;
	v0 =	vadd.s32 v4, v0  }
0xd8: {  	[tilespmem:s24+$0xFFFFFFF0] =	vst v5  }
0xd9: {  	[tilespmem:s23+$0xFFFFFFF0] =	vst v3  }
0xda: {  	[tilespmem:s18+$0xFFFFFFF0] =	vst v1  }
0xdb: {  	[tilespmem:s19+$0xFFFFFFF0] =	vst v0  }
0xdc: {  	v0 =	vld [tilespmem:s22+$0x0]  }
0xdd: {  	v1 =	vld [tilespmem:s10+$0x0];
	_ =	sdelay $0x3  }
0xde: {  	v0 =	vadd.f32 $1.000000000e+00, v0  }
0xdf: {  	v1 =	vadd.f32 $1.000000000e+00, v1  }
0xe0: {  	v0 =	vmul.f32 $2.048000000e+03, v0  }
0xe1: {  	v1 =	vmul.f32 $2.048000000e+03, v1  }
0xe2: {  	v0 =	vadd.f32 $-1.000000000e+00, v0  }
0xe3: {  	v1 =	vadd.f32 $-1.000000000e+00, v1  }
0xe4: {  	v0 =	vmul.f32 $5.000000000e-01, v0  }
0xe5: {  	v1 =	vmul.f32 $5.000000000e-01, v1  }
0xe6: {  	v0 =	vmax.f32 v0, $0.0e+00  }
0xe7: {  	v0 =	vmin.f32 v0, $2.047000000e+03;
	v1 =	vmax.f32 v1, $0.0e+00  }
0xe8: {  	v1 =	vmin.f32 v1, $2.047000000e+03;
	v2 =	vtrunc.f32 v0  }
0xe9: {  	v2 =	vcvt.f32.s32 v2;
	v3 =	vtrunc.f32 v1  }
0xea: {  	v3 =	vcvt.f32.s32 v3  }
0xeb: {  	v4 =	vcvt.s32.f32 v2;
	v5 =	vadd.s32 $0x1, v2  }
0xec: {  	v6 =	vcvt.s32.f32 v3;
	vm0 =	vlt.s32 v5, $0x7FF;
	v7 =	vadd.s32 $0x1, v3  }
0xed: {  	v3 =	vshll.u32 v3, $0xB;
	v0 =	vsub.f32 v0, v4;
	vm1 =	vlt.s32 v7, $0x7FF  }
0xee: {  	v4 =	vnsel vm0, $0x7FF, v5;
	v1 =	vsub.f32 v1, v6;
	v5 =	vnsel vm1, $0x7FF, v7  }
.Ltmp1:
0xef: {  	[tilespmem:s21+$0x0] =	vst v0;
	v0 =	vshll.u32 v5, $0xB;
	v5 =	vadd.s32 v2, v3;
	v3 =	vadd.s32 v4, v3;
	(pc) =	sbr.rel @p0 .LBB2_5-.Ltmp1, $4  }
0xf0: {  	[tilespmem:s25+$0x0] =	vst v1;
	v1 =	vadd.s32 v2, v0;
	v0 =	vadd.s32 v4, v0  }
0xf1: {  	[tilespmem:s24+$0x0] =	vst v5  }
0xf2: {  	s22 =	sadd.s32 $0x20, s22;
	s10 =	sadd.s32 $0x20, s10;
	s21 =	sadd.s32 $0x20, s21;
	[tilespmem:s23+$0x0] =	vst v3  }
0xf3: {  	s25 =	sadd.s32 $0x20, s25;
	s24 =	sadd.s32 $0x20, s24;
	s23 =	sadd.s32 $0x20, s23;
	[tilespmem:s18+$0x0] =	vst v1  }
0xf4: {  	[tilespmem:s19+$0x0] =	vst v0;
	s10 =	simm.s32 $0x7800;
	s18 =	simm.s32 $0x9800  }
0xf5: {  	[tilespmem:s18], [sflag:$0x2] =	stream.indirect.gather [hbm4b:s6+s13], $0x1, s10, s13, $0xb8;
	[tilespmem:$0xD000] =	vst v63  }
0xf6: {  	_ = 	snop  }
0xf7: {  	[tilespmem:s28], [sflag:$0x2] =	stream.indirect.gather [hbm4b:s6+s13], $0x1, s26, s13, $0xb8;
	[tilespmem:$0xD000] =	vst v63  }
0xf8: {  	_ = 	snop  }
0xf9: {  	[tilespmem:s30], [sflag:$0x2] =	stream.indirect.gather [hbm4b:s6+s13], $0x1, s29, s13, $0xb8;
	[tilespmem:$0xD000] =	vst v63  }
0xfa: {  	_ = 	snop  }
0xfb: {  	[tilespmem:s0], [sflag:$0x2] =	stream.indirect.gather [hbm4b:s6+s13], $0x1, s31, s13, $0xb8;
	[tilespmem:$0xD000] =	vst v63  }
0xfc: {  	_ =	swait.ge [sflag:s2], $0x800  }
0xfd: {  	[sflag:s2] =	ssyncset.done $0x0  }
0xfe: {  	[sflag:s2] =	ssyncadd.s32 $0xFFFFF800  }
0xff: {  	_ =	swait.ge [sflag:s2], $0x800  }
0x100: {  	[sflag:s2] =	ssyncset.done $0x0  }
0x101: {  	[sflag:s2] =	ssyncadd.s32 $0xFFFFF800  }
0x102: {  	_ =	swait.ge [sflag:s2], $0x800  }
0x103: {  	[sflag:s2] =	ssyncset.done $0x0  }
0x104: {  	[sflag:s2] =	ssyncadd.s32 $0xFFFFF800  }
0x105: {  	_ =	swait.ge [sflag:s2], $0x800  }
0x106: {  	p0 =	seq.s32 s14, $0x0;
	[sflag:s2] =	ssyncset.done $0x0  }
0x107: {  	s10 =	simm.s32 @!p0 $0x3;
	[sflag:s2] =	ssyncadd.s32 $0xFFFFF800  }
0x108: {  	_ =	swait.ge @!p0 [sflag:s10], $0x800  }
0x109: {  	[sflag:s10] =	ssyncset.done @!p0 $0x0  }
0x10a: {  	s25 =	simm.s32 $0x3810;
	[sflag:s10] =	ssyncadd.s32 @!p0 $0xFFFFF800  }
0x10b: {  	s10 =	simm.s32 $0x4810;
	v0 =	vld [tilespmem:s25+$0xFFFFFFF0]  }
0x10c: {  	s20 =	simm.s32 $0x4010;
	v1 =	vld [tilespmem:s10+$0xFFFFFFF0]  }
0x10d: {  	s21 =	simm.s32 $0x3010;
	v2 =	vld [tilespmem:s20+$0xFFFFFFF0]  }
0x10e: {  	v3 =	vld [tilespmem:s21+$0xFFFFFFF0]  }
0x10f: {  	s22 =	simm.s32 $0x5010  }
0x110: {  	v4 =	vld [tilespmem:s22+$0xFFFFFFF0];
	_ =	sdelay $0x2  }
0x111: {  	v1 =	vsub.f32 v1, v2;
	v0 =	vsub.f32 v0, v3;
	_ =	sdelay $0x1  }
0x112: {  	s23 =	simm.s32 $0x5810;
	v1 =	vmul.f32 v1, v4;
	v0 =	vmul.f32 v0, v4  }
0x113: {  	v61 =	vld [tilespmem:s23+$0xFFFFFFF0]  }
0x114: {  	v1 =	vadd.f32 v1, v2;
	v0 =	vadd.f32 v0, v3;
	_ =	sdelay $0x1  }
0x115: {  	v1 =	vsub.f32 v1, v0;
	_ =	sdelay $0x1  }
0x116: {  	v1 =	vmul.f32 v1, v61;
	_ =	sdelay $0x1  }
0x117: {  	v0 =	vadd.f32 v1, v0  }
0x118: {  	s18 =	simm.s32 $0x6010  }
0x119: {  	[tilespmem:s18+$0xFFFFFFF0] =	vst v0  }
0x11a: {  	v0 =	vld [tilespmem:s10+$0x0]  }
0x11b: {  	v1 =	vld [tilespmem:s21+$0x0]  }
0x11c: {  	v2 =	vld [tilespmem:s20+$0x0]  }
0x11d: {  	v3 =	vld [tilespmem:s25+$0x0];
	_ =	sdelay $0x1  }
0x11e: {  	v62 =	vld [tilespmem:s22+$0x0];
	_ =	sdelay $0x2  }
0x11f: {  	v0 =	vsub.f32 v0, v2;
	v3 =	vsub.f32 v3, v1;
	_ =	sdelay $0x1  }
0x120: {  	v0 =	vmul.f32 v0, v62;
	v3 =	vmul.f32 v3, v62  }
0x121: {  	v63 =	vld [tilespmem:s23+$0x0]  }
0x122: {  	v2 =	vadd.f32 v0, v2;
	v0 =	vadd.f32 v3, v1;
	_ =	sdelay $0x1  }
0x123: {  	s19 =	simm.s32 $0x0;
	v1 =	vsub.f32 v2, v0  }
0x124: {  	s24 =	simm.s32 $0x6010;
	s20 =	simm.s32 $0x5830;
	s21 =	simm.s32 $0x5030  }
0x125: {  	s22 =	simm.s32 $0x4030;
	s23 =	simm.s32 $0x3830;
	s25 =	simm.s32 $0x3030;
	v1 =	vmul.f32 v1, v63  }
.LBB2_7:
0x126: {  	s19 =	sadd.s32 $0x2, s19;
	s18 =	sadd.s32 $0x20, s18;
	s10 =	sadd.s32 $0x20, s10  }
0x127: {  	p1 =	slt.u32 s19, $0x7E;
	v0 =	vadd.f32 v1, v0;
	_ =	sdelay $0x1  }
0x128: {  	[tilespmem:s24+$0x0] =	vst v0;
	s24 =	smov.u32 s18  }
0x129: {  	v0 =	vld [tilespmem:s23+$0xFFFFFFF0]  }
0x12a: {  	v1 =	vld [tilespmem:s10+$0xFFFFFFF0]  }
0x12b: {  	v2 =	vld [tilespmem:s22+$0xFFFFFFF0]  }
0x12c: {  	v3 =	vld [tilespmem:s25+$0xFFFFFFF0]  }
0x12d: {  	v4 =	vld [tilespmem:s21+$0xFFFFFFF0];
	_ =	sdelay $0x2  }
0x12e: {  	v1 =	vsub.f32 v1, v2  }
0x12f: {  	v0 =	vsub.f32 v0, v3  }
0x130: {  	v1 =	vmul.f32 v1, v4  }
0x131: {  	v0 =	vmul.f32 v0, v4  }
0x132: {  	v4 =	vld [tilespmem:s20+$0xFFFFFFF0];
	v1 =	vadd.f32 v1, v2  }
0x133: {  	v0 =	vadd.f32 v0, v3;
	_ =	sdelay $0x1  }
0x134: {  	v1 =	vsub.f32 v1, v0;
	_ =	sdelay $0x1  }
0x135: {  	v1 =	vmul.f32 v1, v4;
	_ =	sdelay $0x1  }
0x136: {  	v0 =	vadd.f32 v1, v0;
	_ =	sdelay $0x1  }
0x137: {  	[tilespmem:s18+$0xFFFFFFF0] =	vst v0  }
0x138: {  	v0 =	vld [tilespmem:s10+$0x0]  }
0x139: {  	v1 =	vld [tilespmem:s25+$0x0]  }
0x13a: {  	v2 =	vld [tilespmem:s22+$0x0]  }
0x13b: {  	v3 =	vld [tilespmem:s23+$0x0]  }
0x13c: {  	v4 =	vld [tilespmem:s21+$0x0];
	_ =	sdelay $0x2  }
0x13d: {  	v0 =	vsub.f32 v0, v2  }
0x13e: {  	v3 =	vsub.f32 v3, v1  }
0x13f: {  	v0 =	vmul.f32 v0, v4  }
0x140: {  	v5 =	vld [tilespmem:s20+$0x0];
	v3 =	vmul.f32 v3, v4  }
0x141: {  	v2 =	vadd.f32 v0, v2  }
.Ltmp2:
0x142: {  	v0 =	vadd.f32 v3, v1;
	(pc) =	sbr.rel @p1 .LBB2_7-.Ltmp2, $4  }
0x143: {  	_ = 	snop  }
0x144: {  	v1 =	vsub.f32 v2, v0  }
0x145: {  	s21 =	sadd.s32 $0x20, s21;
	s20 =	sadd.s32 $0x20, s20  }
0x146: {  	s25 =	sadd.s32 $0x20, s25;
	s22 =	sadd.s32 $0x20, s22;
	s23 =	sadd.s32 $0x20, s23;
	v1 =	vmul.f32 v1, v5  }
0x147: {  	p1 =	seq.s32 s14, $0x7  }
.Ltmp3:
0x148: {  	_ = 	snop;
	(pc) =	sbr.rel @p1 .LBB2_12-.Ltmp3, $3  }
0x149: {  	v0 =	vadd.f32 v1, v0;
	_ =	sdelay $0x1  }
0x14a: {  	s10 =	sadd.s32 s7, s17;
	[tilespmem:s24+$0x0] =	vst v0  }
0x14b: {  	[hbm4b:s10+s3] =	stream.linear.scatter [tilespmem:s8], [sflag:$0x3], $0x800, $0x38;
	[tilespmem:$0xD000] =	vst v63  }
0x14c: {  	s10 =	rddreg [dreg:$0x5]  }
0x14d: {  	s10 =	sadd.s32 s16, s10  }
0x14e: {  	s10 =	sshrl.u32 s10, $0x3  }
0x14f: {  	s24 =	sadd.s32 s4, s10  }
0x150: {  	[tilespmem:s3], [sflag:$0x5] =	stream.linear.gather [hbm4b:s24+s3], $0x800, $0x38;
	[tilespmem:$0xD000] =	vst v63  }
0x151: {  	_ =	swait.ge [sflag:s12], $0x800  }
0x152: {  	[sflag:s12] =	ssyncset.done $0x0  }
0x153: {  	s10 =	sadd.s32 s1, s10;
	[sflag:s12] =	ssyncadd.s32 $0xFFFFF800  }
0x154: {  	[tilespmem:s13], [sflag:$0x5] =	stream.linear.gather [hbm4b:s10+s3], $0x800, $0x38;
	[tilespmem:$0xD000] =	vst v63  }
0x155: {  	_ =	swait.ge [sflag:s12], $0x800  }
0x156: {  	[sflag:s12] =	ssyncset.done $0x0  }
0x157: {  	s25 =	simm.s32 $0x10;
	[sflag:s12] =	ssyncadd.s32 $0xFFFFF800  }
0x158: {  	s18 =	simm.s32 $0x810;
	v0 =	vld [tilespmem:s25+$0xFFFFFFF0]  }
0x159: {  	v1 =	vld [tilespmem:s18+$0xFFFFFFF0];
	_ =	sdelay $0x3  }
0x15a: {  	v0 =	vadd.f32 $1.000000000e+00, v0  }
0x15b: {  	v1 =	vadd.f32 $1.000000000e+00, v1  }
0x15c: {  	v0 =	vmul.f32 $2.048000000e+03, v0  }
0x15d: {  	v1 =	vmul.f32 $2.048000000e+03, v1  }
0x15e: {  	v0 =	vadd.f32 $-1.000000000e+00, v0  }
0x15f: {  	v1 =	vadd.f32 $-1.000000000e+00, v1  }
0x160: {  	v0 =	vmul.f32 $5.000000000e-01, v0  }
0x161: {  	v1 =	vmul.f32 $5.000000000e-01, v1  }
0x162: {  	v0 =	vmax.f32 v0, $0.0e+00  }
0x163: {  	v1 =	vmax.f32 v1, $0.0e+00;
	v0 =	vmin.f32 v0, $2.047000000e+03  }
0x164: {  	v1 =	vmin.f32 v1, $2.047000000e+03;
	v2 =	vtrunc.f32 v0  }
0x165: {  	v3 =	vtrunc.f32 v1;
	v2 =	vcvt.f32.s32 v2  }
0x166: {  	v3 =	vcvt.f32.s32 v3  }
0x167: {  	v4 =	vcvt.s32.f32 v2  }
0x168: {  	v5 =	vcvt.s32.f32 v3  }
0x169: {  	v0 =	vsub.f32 v0, v4  }
0x16a: {  	s19 =	simm.s32 $0x5010;
	v55 =	vadd.s32 $0x1, v2;
	v6 =	vadd.s32 $0x1, v3;
	v1 =	vsub.f32 v1, v5  }
0x16b: {  	s20 =	simm.s32 $0x5810;
	v3 =	vshll.u32 v3, $0xB;
	vm0 =	vlt.s32 v55, $0x7FF;
	vm1 =	vlt.s32 v6, $0x7FF;
	[tilespmem:s19+$0xFFFFFFF0] =	vst v0  }
0x16c: {  	s21 =	simm.s32 $0x1010;
	v57 =	vadd.s32 v2, v3;
	v56 =	vnsel vm1, $0x7FF, v6;
	v0 =	vnsel vm0, $0x7FF, v55;
	[tilespmem:s20+$0xFFFFFFF0] =	vst v1  }
0x16d: {  	s22 =	simm.s32 $0x1810;
	v1 =	vshll.u32 v56, $0xB;
	v3 =	vadd.s32 v0, v3;
	[tilespmem:s21+$0xFFFFFFF0] =	vst v57  }
0x16e: {  	s16 =	simm.s32 $0x2010;
	v2 =	vadd.s32 v2, v1;
	[tilespmem:s22+$0xFFFFFFF0] =	vst v3  }
0x16f: {  	s17 =	simm.s32 $0x2810;
	v0 =	vadd.s32 v0, v1;
	[tilespmem:s16+$0xFFFFFFF0] =	vst v2  }
0x170: {  	[tilespmem:s17+$0xFFFFFFF0] =	vst v0  }
0x171: {  	v0 =	vld [tilespmem:s25+$0x0]  }
0x172: {  	v1 =	vld [tilespmem:s18+$0x0];
	_ =	sdelay $0x3  }
0x173: {  	v0 =	vadd.f32 $1.000000000e+00, v0  }
0x174: {  	v1 =	vadd.f32 $1.000000000e+00, v1  }
0x175: {  	v0 =	vmul.f32 $2.048000000e+03, v0  }
0x176: {  	v1 =	vmul.f32 $2.048000000e+03, v1  }
0x177: {  	v0 =	vadd.f32 $-1.000000000e+00, v0  }
0x178: {  	v1 =	vadd.f32 $-1.000000000e+00, v1  }
0x179: {  	v0 =	vmul.f32 $5.000000000e-01, v0  }
0x17a: {  	v1 =	vmul.f32 $5.000000000e-01, v1  }
0x17b: {  	v0 =	vmax.f32 v0, $0.0e+00  }
0x17c: {  	v1 =	vmax.f32 v1, $0.0e+00;
	v0 =	vmin.f32 v0, $2.047000000e+03  }
0x17d: {  	v1 =	vmin.f32 v1, $2.047000000e+03;
	v2 =	vtrunc.f32 v0  }
0x17e: {  	v3 =	vtrunc.f32 v1;
	v2 =	vcvt.f32.s32 v2  }
0x17f: {  	v3 =	vcvt.f32.s32 v3  }
0x180: {  	v58 =	vcvt.s32.f32 v2  }
0x181: {  	v59 =	vcvt.s32.f32 v3  }
0x182: {  	v0 =	vsub.f32 v0, v58  }
0x183: {  	v60 =	vadd.s32 $0x1, v2;
	v61 =	vadd.s32 $0x1, v3;
	v1 =	vsub.f32 v1, v59  }
0x184: {  	v3 =	vshll.u32 v3, $0xB;
	vm14 =	vlt.s32 v60, $0x7FF;
	vm15 =	vlt.s32 v61, $0x7FF;
	[tilespmem:s19+$0x0] =	vst v0  }
0x185: {  	v63 =	vadd.s32 v2, v3;
	v62 =	vnsel vm15, $0x7FF, v61;
	v0 =	vnsel vm14, $0x7FF, v60;
	[tilespmem:s20+$0x0] =	vst v1  }
0x186: {  	s23 =	simm.s32 $0x5830;
	v1 =	vshll.u32 v62, $0xB;
	v3 =	vadd.s32 v0, v3;
	[tilespmem:s21+$0x0] =	vst v63  }
0x187: {  	s10 =	simm.s32 $0x830;
	s18 =	simm.s32 $0x0;
	s19 =	simm.s32 $0x5030;
	v2 =	vadd.s32 v2, v1;
	[tilespmem:s22+$0x0] =	vst v3  }
0x188: {  	s20 =	simm.s32 $0x30;
	v0 =	vadd.s32 v0, v1;
	s21 =	simm.s32 $0x1830;
	s22 =	simm.s32 $0x1030;
	[tilespmem:s16+$0x0] =	vst v2  }
.LBB2_10:
0x189: {  	s18 =	sadd.s32 $0x2, s18;
	[tilespmem:s17+$0x0] =	vst v0;
	s17 =	sadd.s32 $0x20, s17;
	s16 =	sadd.s32 $0x20, s16  }
0x18a: {  	v0 =	vld [tilespmem:s20+$0xFFFFFFF0];
	p1 =	slt.u32 s18, $0x7E  }
0x18b: {  	v1 =	vld [tilespmem:s10+$0xFFFFFFF0];
	_ =	sdelay $0x3  }
0x18c: {  	v0 =	vadd.f32 $1.000000000e+00, v0  }
0x18d: {  	v1 =	vadd.f32 $1.000000000e+00, v1  }
0x18e: {  	v0 =	vmul.f32 $2.048000000e+03, v0  }
0x18f: {  	v1 =	vmul.f32 $2.048000000e+03, v1  }
0x190: {  	v0 =	vadd.f32 $-1.000000000e+00, v0  }
0x191: {  	v1 =	vadd.f32 $-1.000000000e+00, v1  }
0x192: {  	v0 =	vmul.f32 $5.000000000e-01, v0  }
0x193: {  	v1 =	vmul.f32 $5.000000000e-01, v1  }
0x194: {  	v0 =	vmax.f32 v0, $0.0e+00  }
0x195: {  	v0 =	vmin.f32 v0, $2.047000000e+03;
	v1 =	vmax.f32 v1, $0.0e+00  }
0x196: {  	v1 =	vmin.f32 v1, $2.047000000e+03;
	v2 =	vtrunc.f32 v0  }
0x197: {  	v2 =	vcvt.f32.s32 v2;
	v3 =	vtrunc.f32 v1  }
0x198: {  	v3 =	vcvt.f32.s32 v3  }
0x199: {  	v4 =	vcvt.s32.f32 v2;
	v5 =	vadd.s32 $0x1, v2  }
0x19a: {  	v6 =	vcvt.s32.f32 v3;
	vm0 =	vlt.s32 v5, $0x7FF;
	v7 =	vadd.s32 $0x1, v3  }
0x19b: {  	v3 =	vshll.u32 v3, $0xB;
	v0 =	vsub.f32 v0, v4;
	vm1 =	vlt.s32 v7, $0x7FF  }
0x19c: {  	v4 =	vnsel vm0, $0x7FF, v5;
	v1 =	vsub.f32 v1, v6;
	v5 =	vnsel vm1, $0x7FF, v7  }
0x19d: {  	[tilespmem:s19+$0xFFFFFFF0] =	vst v0;
	v0 =	vshll.u32 v5, $0xB;
	v5 =	vadd.s32 v2, v3;
	v3 =	vadd.s32 v4, v3  }
0x19e: {  	[tilespmem:s23+$0xFFFFFFF0] =	vst v1;
	v1 =	vadd.s32 v2, v0;
	v0 =	vadd.s32 v4, v0  }
0x19f: {  	[tilespmem:s22+$0xFFFFFFF0] =	vst v5  }
0x1a0: {  	[tilespmem:s21+$0xFFFFFFF0] =	vst v3  }
0x1a1: {  	[tilespmem:s16+$0xFFFFFFF0] =	vst v1  }
0x1a2: {  	[tilespmem:s17+$0xFFFFFFF0] =	vst v0  }
0x1a3: {  	v0 =	vld [tilespmem:s20+$0x0]  }
0x1a4: {  	v1 =	vld [tilespmem:s10+$0x0];
	_ =	sdelay $0x3  }
0x1a5: {  	v0 =	vadd.f32 $1.000000000e+00, v0  }
0x1a6: {  	v1 =	vadd.f32 $1.000000000e+00, v1  }
0x1a7: {  	v0 =	vmul.f32 $2.048000000e+03, v0  }
0x1a8: {  	v1 =	vmul.f32 $2.048000000e+03, v1  }
0x1a9: {  	v0 =	vadd.f32 $-1.000000000e+00, v0  }
0x1aa: {  	v1 =	vadd.f32 $-1.000000000e+00, v1  }
0x1ab: {  	v0 =	vmul.f32 $5.000000000e-01, v0  }
0x1ac: {  	v1 =	vmul.f32 $5.000000000e-01, v1  }
0x1ad: {  	v0 =	vmax.f32 v0, $0.0e+00  }
0x1ae: {  	v0 =	vmin.f32 v0, $2.047000000e+03;
	v1 =	vmax.f32 v1, $0.0e+00  }
0x1af: {  	v1 =	vmin.f32 v1, $2.047000000e+03;
	v2 =	vtrunc.f32 v0  }
0x1b0: {  	v2 =	vcvt.f32.s32 v2;
	v3 =	vtrunc.f32 v1  }
0x1b1: {  	v3 =	vcvt.f32.s32 v3  }
0x1b2: {  	v4 =	vcvt.s32.f32 v2;
	v5 =	vadd.s32 $0x1, v2  }
0x1b3: {  	v6 =	vcvt.s32.f32 v3;
	vm0 =	vlt.s32 v5, $0x7FF;
	v7 =	vadd.s32 $0x1, v3  }
0x1b4: {  	v3 =	vshll.u32 v3, $0xB;
	v0 =	vsub.f32 v0, v4;
	vm1 =	vlt.s32 v7, $0x7FF  }
0x1b5: {  	v4 =	vnsel vm0, $0x7FF, v5;
	v1 =	vsub.f32 v1, v6;
	v5 =	vnsel vm1, $0x7FF, v7  }
.Ltmp4:
0x1b6: {  	[tilespmem:s19+$0x0] =	vst v0;
	v0 =	vshll.u32 v5, $0xB;
	v5 =	vadd.s32 v2, v3;
	v3 =	vadd.s32 v4, v3;
	(pc) =	sbr.rel @p1 .LBB2_10-.Ltmp4, $4  }
0x1b7: {  	[tilespmem:s23+$0x0] =	vst v1;
	v1 =	vadd.s32 v2, v0;
	v0 =	vadd.s32 v4, v0  }
0x1b8: {  	[tilespmem:s22+$0x0] =	vst v5  }
0x1b9: {  	s20 =	sadd.s32 $0x20, s20;
	s10 =	sadd.s32 $0x20, s10;
	s19 =	sadd.s32 $0x20, s19;
	[tilespmem:s21+$0x0] =	vst v3  }
0x1ba: {  	s23 =	sadd.s32 $0x20, s23;
	s22 =	sadd.s32 $0x20, s22;
	s21 =	sadd.s32 $0x20, s21;
	[tilespmem:s16+$0x0] =	vst v1  }
0x1bb: {  	[tilespmem:s17+$0x0] =	vst v0;
	s10 =	simm.s32 $0x1000;
	s16 =	simm.s32 $0x3000  }
0x1bc: {  	[tilespmem:s16], [sflag:$0x1] =	stream.indirect.gather [hbm4b:s6+s13], $0x1, s10, s13, $0xb8;
	[tilespmem:$0xD000] =	vst v63  }
0x1bd: {  	s20 =	simm.s32 $0x1800;
	s21 =	simm.s32 $0x3800  }
0x1be: {  	[tilespmem:s21], [sflag:$0x1] =	stream.indirect.gather [hbm4b:s6+s13], $0x1, s20, s13, $0xb8;
	[tilespmem:$0xD000] =	vst v63  }
0x1bf: {  	s22 =	simm.s32 $0x2000;
	s23 =	simm.s32 $0x4000  }
0x1c0: {  	[tilespmem:s23], [sflag:$0x1] =	stream.indirect.gather [hbm4b:s6+s13], $0x1, s22, s13, $0xb8;
	[tilespmem:$0xD000] =	vst v63  }
0x1c1: {  	s24 =	simm.s32 $0x2800;
	s25 =	simm.s32 $0x4800  }
0x1c2: {  	[tilespmem:s25], [sflag:$0x1] =	stream.indirect.gather [hbm4b:s6+s13], $0x1, s24, s13, $0xb8;
	[tilespmem:$0xD000] =	vst v63  }
.LBB2_12:
0x1c3: {  	_ =	swait.ge [sflag:s9], $0x800  }
0x1c4: {  	[sflag:s9] =	ssyncset.done $0x0  }
0x1c5: {  	[sflag:s9] =	ssyncadd.s32 $0xFFFFF800  }
0x1c6: {  	_ =	swait.ge [sflag:s9], $0x800  }
0x1c7: {  	[sflag:s9] =	ssyncset.done $0x0  }
0x1c8: {  	[sflag:s9] =	ssyncadd.s32 $0xFFFFF800  }
0x1c9: {  	_ =	swait.ge [sflag:s9], $0x800  }
0x1ca: {  	[sflag:s9] =	ssyncset.done $0x0  }
0x1cb: {  	[sflag:s9] =	ssyncadd.s32 $0xFFFFF800  }
0x1cc: {  	_ =	swait.ge [sflag:s9], $0x800  }
0x1cd: {  	[sflag:s9] =	ssyncset.done $0x0  }
0x1ce: {  	s10 =	simm.s32 @!p0 $0x4;
	[sflag:s9] =	ssyncadd.s32 $0xFFFFF800  }
0x1cf: {  	_ =	swait.ge @!p0 [sflag:s10], $0x800  }
0x1d0: {  	[sflag:s10] =	ssyncset.done @!p0 $0x0  }
0x1d1: {  	s17 =	simm.s32 $0xA010;
	[sflag:s10] =	ssyncadd.s32 @!p0 $0xFFFFF800  }
0x1d2: {  	s10 =	simm.s32 $0xB010;
	v0 =	vld [tilespmem:s17+$0xFFFFFFF0]  }
0x1d3: {  	s18 =	simm.s32 $0xA810;
	v1 =	vld [tilespmem:s10+$0xFFFFFFF0]  }
0x1d4: {  	s19 =	simm.s32 $0x9810;
	v2 =	vld [tilespmem:s18+$0xFFFFFFF0]  }
0x1d5: {  	v3 =	vld [tilespmem:s19+$0xFFFFFFF0]  }
0x1d6: {  	s20 =	simm.s32 $0xB810  }
0x1d7: {  	v4 =	vld [tilespmem:s20+$0xFFFFFFF0];
	_ =	sdelay $0x2  }
0x1d8: {  	v1 =	vsub.f32 v1, v2;
	v0 =	vsub.f32 v0, v3;
	_ =	sdelay $0x1  }
0x1d9: {  	s21 =	simm.s32 $0xC010;
	v1 =	vmul.f32 v1, v4;
	v0 =	vmul.f32 v0, v4  }
0x1da: {  	v61 =	vld [tilespmem:s21+$0xFFFFFFF0]  }
0x1db: {  	v1 =	vadd.f32 v1, v2;
	v0 =	vadd.f32 v0, v3;
	_ =	sdelay $0x1  }
0x1dc: {  	v1 =	vsub.f32 v1, v0;
	_ =	sdelay $0x1  }
0x1dd: {  	v1 =	vmul.f32 v1, v61;
	_ =	sdelay $0x1  }
0x1de: {  	v0 =	vadd.f32 v1, v0  }
0x1df: {  	s16 =	simm.s32 $0xC810  }
0x1e0: {  	[tilespmem:s16+$0xFFFFFFF0] =	vst v0  }
0x1e1: {  	v0 =	vld [tilespmem:s10+$0x0]  }
0x1e2: {  	v1 =	vld [tilespmem:s19+$0x0]  }
0x1e3: {  	v2 =	vld [tilespmem:s18+$0x0]  }
0x1e4: {  	v3 =	vld [tilespmem:s17+$0x0];
	_ =	sdelay $0x1  }
0x1e5: {  	v62 =	vld [tilespmem:s20+$0x0];
	_ =	sdelay $0x2  }
0x1e6: {  	v0 =	vsub.f32 v0, v2;
	v3 =	vsub.f32 v3, v1;
	_ =	sdelay $0x1  }
0x1e7: {  	v0 =	vmul.f32 v0, v62;
	v3 =	vmul.f32 v3, v62  }
0x1e8: {  	v63 =	vld [tilespmem:s21+$0x0]  }
0x1e9: {  	v2 =	vadd.f32 v0, v2;
	v0 =	vadd.f32 v3, v1;
	_ =	sdelay $0x1  }
0x1ea: {  	s23 =	simm.s32 $0x9830;
	v1 =	vsub.f32 v2, v0  }
0x1eb: {  	s22 =	simm.s32 $0xC810;
	s17 =	simm.s32 $0x0;
	s18 =	simm.s32 $0xC030  }
0x1ec: {  	s19 =	simm.s32 $0xB830;
	s20 =	simm.s32 $0xA830;
	s21 =	simm.s32 $0xA030;
	v1 =	vmul.f32 v1, v63  }
.LBB2_13:
0x1ed: {  	s17 =	sadd.s32 $0x2, s17;
	s16 =	sadd.s32 $0x20, s16;
	s10 =	sadd.s32 $0x20, s10  }
0x1ee: {  	p0 =	slt.u32 s17, $0x7E;
	v0 =	vadd.f32 v1, v0;
	_ =	sdelay $0x1  }
0x1ef: {  	[tilespmem:s22+$0x0] =	vst v0;
	s22 =	smov.u32 s16  }
0x1f0: {  	v0 =	vld [tilespmem:s21+$0xFFFFFFF0]  }
0x1f1: {  	v1 =	vld [tilespmem:s10+$0xFFFFFFF0]  }
0x1f2: {  	v2 =	vld [tilespmem:s20+$0xFFFFFFF0]  }
0x1f3: {  	v3 =	vld [tilespmem:s23+$0xFFFFFFF0]  }
0x1f4: {  	v4 =	vld [tilespmem:s19+$0xFFFFFFF0];
	_ =	sdelay $0x2  }
0x1f5: {  	v1 =	vsub.f32 v1, v2  }
0x1f6: {  	v0 =	vsub.f32 v0, v3  }
0x1f7: {  	v1 =	vmul.f32 v1, v4  }
0x1f8: {  	v0 =	vmul.f32 v0, v4  }
0x1f9: {  	v4 =	vld [tilespmem:s18+$0xFFFFFFF0];
	v1 =	vadd.f32 v1, v2  }
0x1fa: {  	v0 =	vadd.f32 v0, v3;
	_ =	sdelay $0x1  }
0x1fb: {  	v1 =	vsub.f32 v1, v0;
	_ =	sdelay $0x1  }
0x1fc: {  	v1 =	vmul.f32 v1, v4;
	_ =	sdelay $0x1  }
0x1fd: {  	v0 =	vadd.f32 v1, v0;
	_ =	sdelay $0x1  }
0x1fe: {  	[tilespmem:s16+$0xFFFFFFF0] =	vst v0  }
0x1ff: {  	v0 =	vld [tilespmem:s10+$0x0]  }
0x200: {  	v1 =	vld [tilespmem:s23+$0x0]  }
0x201: {  	v2 =	vld [tilespmem:s20+$0x0]  }
0x202: {  	v3 =	vld [tilespmem:s21+$0x0]  }
0x203: {  	v4 =	vld [tilespmem:s19+$0x0];
	_ =	sdelay $0x2  }
0x204: {  	v0 =	vsub.f32 v0, v2  }
0x205: {  	v3 =	vsub.f32 v3, v1  }
0x206: {  	v0 =	vmul.f32 v0, v4  }
0x207: {  	v5 =	vld [tilespmem:s18+$0x0];
	v3 =	vmul.f32 v3, v4  }
0x208: {  	v2 =	vadd.f32 v0, v2  }
.Ltmp5:
0x209: {  	v0 =	vadd.f32 v3, v1;
	(pc) =	sbr.rel @p0 .LBB2_13-.Ltmp5, $4  }
0x20a: {  	_ = 	snop  }
0x20b: {  	v1 =	vsub.f32 v2, v0  }
0x20c: {  	s19 =	sadd.s32 $0x20, s19;
	s18 =	sadd.s32 $0x20, s18  }
0x20d: {  	s23 =	sadd.s32 $0x20, s23;
	s20 =	sadd.s32 $0x20, s20;
	s21 =	sadd.s32 $0x20, s21;
	v1 =	vmul.f32 v1, v5  }
0x20e: {  	s14 =	sadd.s32 $0x1, s14  }
0x20f: {  	p0 =	sne.s32 s14, $0x8  }
.Ltmp6:
0x210: {  	_ = 	snop;
	(pc) =	sbr.rel @p0 .LBB2_4-.Ltmp6, $3  }
0x211: {  	v0 =	vadd.f32 v1, v0;
	_ =	sdelay $0x1  }
0x212: {  	s10 =	sadd.s32 s7, s15;
	[tilespmem:s22+$0x0] =	vst v0  }
0x213: {  	[hbm4b:s10+s3] =	stream.linear.scatter [tilespmem:s11], [sflag:$0x4], $0x800, $0x38;
	[tilespmem:$0xD000] =	vst v63  }
0x214: {  	s10 =	simm.s32 $0x3  }
0x215: {  	_ =	swait.ge [sflag:s10], $0x800  }
0x216: {  	[sflag:s10] =	ssyncset.done $0x0  }
0x217: {  	s14 =	simm.s32 $0x4;
	[sflag:s10] =	ssyncadd.s32 $0xFFFFF800  }
0x218: {  	_ =	swait.ge [sflag:s14], $0x800  }
0x219: {  	s15 =	rddreg [dreg:$0x7]  }
0x21a: {  	s25 =	rddreg [dreg:$0x6];
	s15 =	sadd.s32 $0x1, s15  }
0x21b: {  	p0 =	sne.s32 s15, s25  }
.Ltmp7:
0x21c: {  	_ = 	snop;
	(pc) =	sbr.rel @p0 .LBB2_1-.Ltmp7, $3  }
0x21d: {  	_ =	sdelay $0x1  }
0x21e: {  	[sflag:s14] =	ssyncset.done $0x0  }
0x21f: {  	[sflag:s14] =	ssyncadd.s32 $0xFFFFF800  }
0x220: {  	_ =	sfence.sel $0x180000  }
0x221: {  	[bflag:$0x0] =	sbarrier.arrive $0xFFFF  }
0x222: {  	_ =	strace $0x90000047  }
0x223: {  	s0 =	stileid.u32;
	[bflag:$0x2] =	sbarrier.arrive $0xFFFF  }
0x224: {  	p0 =	sne.s32 s0, $0x0;
	s0 =	rddreg [dreg:$0x2]  }
0x225: {  	s0 =	sadd.s32 @!p0 $0x100000, s0  }
0x226: {  	[sflag:s0] =	ssyncadd.tile.s32 @!p0 $0x1;
	_ =	shalt  }
.Lfunc_end2:
_tile_overlayer_lowered:
.L_overlay_start_2:
0x227: {  	(tag) =	ssettag $0x2  }
0x228: {  	s0 =	rddreg [dreg:$0x0];
	s2 =	stileid.u32  }
0x229: {  	s1 =	rddreg [dreg:$0x1];
	p0 =	sne.s32 s2, $0x0  }
0x22a: {  	s3 =	rddreg [dreg:$0x2];
	[bflag:$0x3] =	sbarrier.arrive $0xFFFF;
	s2 =	simm.s32 @!p0 $0x1C05  }
0x22b: {  	[timem:s3], [sflag:s2] =	dma.local @!p0 [hbm:s0], s1  }
0x22c: {  	s0 =	simm.s32 @!p0 $0x5  }
0x22d: {  	_ =	swait.ge @!p0 [sflag:s0], s1  }
0x22e: {  	s1 =	ssub.s32 @!p0 $0x0, s1;
	[sflag:s0] =	ssyncset.done @!p0 $0x0  }
0x22f: {  	[sflag:s0] =	ssyncadd.s32 @!p0 s1  }
0x230: {  	[bflag:$0x3] =	sbarrier.arrive $0xFFFF  }
0x231: {  	_ =	shalt  }

</sc_bundles>
